<compile_context>
chip_gen: v7x
topology: tpu7x:2x2x1
jax: 0.10.2.dev20260603
libtpu: 0.0.44.dev20260713+nightly
codegen_flags: <defaults>
</compile_context>

<pallas_src>
import functools

import jax
import jax.numpy as jnp
from jax import lax
from jax.experimental import pallas as pl
from jax.experimental.pallas import tpu as pltpu
from jax.experimental.pallas import tpu_sc as plsc

N = 10000
E = 320000
D_IN = 128
D_HID = 64
D_OUT = 128

NC = 2
NS = 16
NW = NC * NS
CHUNK = 128
CPW0 = 124
CPW1 = 36
CPT = CPW0 + CPW1
E_PAD = NS * CPT * CHUNK
NPAD = 10240
RPT = NPAD // NS

ROW_BLK = 400


def _make_sc_agg(with_count):
  mesh = plsc.VectorSubcoreMesh(core_axis_name="c", subcore_axis_name="s")
  out_type = [jax.ShapeDtypeStruct((NC, NPAD, 128), jnp.float32)]
  scratch = [
      pltpu.VMEM((2, CHUNK), jnp.int32),
      pltpu.VMEM((2, CHUNK), jnp.int32),
      pltpu.VMEM((CHUNK, 128), jnp.float32),
      pltpu.VMEM((CHUNK, 128), jnp.float32),
      pltpu.VMEM((16, 128), jnp.float32),
      pltpu.VMEM_SHARED((NPAD, 128), jnp.float32),
      pltpu.SemaphoreType.DMA,
      pltpu.SemaphoreType.DMA,
      pltpu.SemaphoreType.DMA,
      pltpu.SemaphoreType.DMA,
  ]
  if with_count:
    out_type.append(jax.ShapeDtypeStruct((NW, NPAD), jnp.float32))
    scratch += [
        pltpu.VMEM((NPAD,), jnp.float32),
    ]

  def body(p_hbm, edge_hbm, *rest):
    if with_count:
      (agg_out, cnt_out, idx0, idx1, rows0, rows1, zrow, sh_agg,
       sg0, sg1, si0, si1, cnt_loc) = rest
    else:
      (agg_out, idx0, idx1, rows0, rows1, zrow, sh_agg,
       sg0, sg1, si0, si1) = rest
    idx = (idx0, idx1)
    rows = (rows0, rows1)
    sg = (sg0, sg1)
    si = (si0, si1)

    core = lax.axis_index("c")
    sub = lax.axis_index("s")
    w = sub * NC + core
    cpw = jnp.where(core == 0, CPW0, CPW1)
    base_chunk = jnp.where(core == 0, sub * CPW0, NS * CPW0 + sub * CPW1)

    zero16 = jnp.zeros((16,), jnp.float32)

    def zrow_body(i, carry):
      for j in range(8):
        zrow[i, 16 * j:16 * (j + 1)] = zero16
      return carry
    lax.fori_loop(0, 16, zrow_body, 0)

    def zcopy_body(k, carry):
      pltpu.sync_copy(zrow, sh_agg.at[pl.ds(sub * RPT + k * 16, 16)])
      return carry
    lax.fori_loop(0, RPT // 16, zcopy_body, 0)
    if with_count:
      def zcnt_body(i, carry):
        cnt_loc[pl.ds(i * 16, 16)] = zero16
        return carry
      lax.fori_loop(0, NPAD // 16, zcnt_body, 0)
    plsc.subcore_barrier()

    ones16 = jnp.ones((16,), jnp.float32)

    def idx_copy(c, b):
      return pltpu.make_async_copy(
          edge_hbm.at[:, pl.ds((base_chunk + c) * CHUNK, CHUNK)], idx[b], si[b])

    def gather_copy(b):
      return pltpu.make_async_copy(p_hbm.at[idx[b].at[0]], rows[b], sg[b])

    pltpu.sync_copy(edge_hbm.at[:, pl.ds(base_chunk * CHUNK, CHUNK)], idx[0])
    gather_copy(0).start()
    idx_copy(1, 1).start()

    def pipe_body(t, carry):
      for b in range(2):
        c = 2 * t + b
        nb = 1 - b

        @pl.when(c + 1 < cpw)
        def _():
          idx_copy(c + 1, nb).wait()
          gather_copy(nb).start()

        gather_copy(b).wait()
        pltpu.sync_copy(rows[b], sh_agg.at[idx[b].at[1]], add=True)
        if with_count:
          for j in range(CHUNK // 16):
            dv = idx[b][1, pl.ds(16 * j, 16)]
            plsc.addupdate_scatter(cnt_loc, [dv], ones16)

        @pl.when(c + 2 < cpw)
        def _():
          idx_copy(c + 2, b).start()
      return carry
    lax.fori_loop(0, cpw // 2, pipe_body, 0)

    if with_count:
      pltpu.sync_copy(cnt_loc, cnt_out.at[w])
    plsc.subcore_barrier()
    pltpu.sync_copy(sh_agg.at[pl.ds(sub * RPT, RPT)],
                    agg_out.at[core, pl.ds(sub * RPT, RPT)])

  out_ty = tuple(out_type) if with_count else out_type[0]
  return pl.kernel(body, out_type=out_ty, mesh=mesh,
                   scratch_types=tuple(scratch),
                   compiler_params=pltpu.CompilerParams(
                       needs_layout_passes=False))


_sc_agg_cnt = _make_sc_agg(with_count=True)
_sc_agg = _make_sc_agg(with_count=False)


def _combine1_body(aggx_ref, cnt_ref, x_ref, wl1_ref, wr1_ref, b1_ref,
                   wl2_ref, h_ref, q_ref):
  a = aggx_ref[0] + aggx_ref[1]
  c = jnp.maximum(jnp.sum(cnt_ref[...], axis=0), 1.0)
  m = jnp.dot(a, wl1_ref[...], preferred_element_type=jnp.float32) / c
  h = jnp.maximum(
      m + b1_ref[...]
      + jnp.dot(x_ref[...], wr1_ref[...], preferred_element_type=jnp.float32),
      0.0)
  h_ref[...] = h
  q_ref[...] = jnp.dot(h, wl2_ref[...], preferred_element_type=jnp.float32)


def _combine1(aggx, cnt3, x, w_l1, w_r1, b1, w_l2):
  return pl.pallas_call(
      _combine1_body,
      grid=(N // ROW_BLK,),
      in_specs=[
          pl.BlockSpec((NC, ROW_BLK, D_IN), lambda i: (0, i, 0)),
          pl.BlockSpec((NW, ROW_BLK, 1), lambda i: (0, i, 0)),
          pl.BlockSpec((ROW_BLK, D_IN), lambda i: (i, 0)),
          pl.BlockSpec((D_IN, D_HID), lambda i: (0, 0)),
          pl.BlockSpec((D_IN, D_HID), lambda i: (0, 0)),
          pl.BlockSpec((1, D_HID), lambda i: (0, 0)),
          pl.BlockSpec((D_HID, D_OUT), lambda i: (0, 0)),
      ],
      out_specs=[
          pl.BlockSpec((ROW_BLK, D_HID), lambda i: (i, 0)),
          pl.BlockSpec((ROW_BLK, D_OUT), lambda i: (i, 0)),
      ],
      out_shape=[
          jax.ShapeDtypeStruct((N, D_HID), jnp.float32),
          jax.ShapeDtypeStruct((N, D_OUT), jnp.float32),
      ],
  )(aggx, cnt3, x, w_l1, w_r1, b1, w_l2)


def _combine2_body(aggq_ref, cnt_ref, h_ref, wr2_ref, b2_ref, out_ref):
  a = aggq_ref[0] + aggq_ref[1]
  c = jnp.maximum(jnp.sum(cnt_ref[...], axis=0), 1.0)
  out_ref[...] = (
      a / c + b2_ref[...]
      + jnp.dot(h_ref[...], wr2_ref[...], preferred_element_type=jnp.float32))


def _combine2(aggq, cnt3, h, w_r2, b2):
  return pl.pallas_call(
      _combine2_body,
      grid=(N // ROW_BLK,),
      in_specs=[
          pl.BlockSpec((NC, ROW_BLK, D_OUT), lambda i: (0, i, 0)),
          pl.BlockSpec((NW, ROW_BLK, 1), lambda i: (0, i, 0)),
          pl.BlockSpec((ROW_BLK, D_HID), lambda i: (i, 0)),
          pl.BlockSpec((D_HID, D_OUT), lambda i: (0, 0)),
          pl.BlockSpec((1, D_OUT), lambda i: (0, 0)),
      ],
      out_specs=pl.BlockSpec((ROW_BLK, D_OUT), lambda i: (i, 0)),
      out_shape=jax.ShapeDtypeStruct((N, D_OUT), jnp.float32),
  )(aggq, cnt3, h, w_r2, b2)


def kernel(x, edge_index, W_l1, b_l1, W_r1, W_l2, b_l2, W_r2):
  pad = E_PAD - E
  pad_block = jnp.stack([jnp.zeros((pad,), jnp.int32),
                         jnp.full((pad,), NPAD - 1, jnp.int32)])
  edge2 = jnp.concatenate([edge_index.astype(jnp.int32), pad_block], axis=1)

  aggx, cntp = _sc_agg_cnt(x, edge2)
  cnt3 = cntp.reshape(NW, NPAD, 1)
  h, q = _combine1(aggx, cnt3, x, W_l1, W_r1, b_l1.reshape(1, D_HID), W_l2)

  aggq = _sc_agg(q, edge2)
  out = _combine2(aggq, cnt3, h, W_r2, b_l2.reshape(1, D_OUT))
  return out

# --- scband reference (transcript-rebuilt; emitter-appended) ---
"""Pipeline reference for scband-graph-sageencoder-28621662060925 (READ-ONLY COPY).

The authoritative reference and input builder live on the scoring server;
editing this copy changes nothing except your own understanding.
"""

import jax, jax.numpy as jnp
import numpy as np

N_NODES = 10000
N_EDGES = 320000
D_IN = 128
D_HID = 64
D_OUT = 128


def _glorot(key, shape):
    fan_in, fan_out = shape[0], shape[1]
    limit = float(np.sqrt(6.0 / (fan_in + fan_out)))
    return jax.random.uniform(key, shape, dtype=jnp.float32, minval=-limit, maxval=limit)


def setup_inputs(seed: int = 0) -> dict:
    key = jax.random.key(seed)
    ks = jax.random.split(key, 8)
    x = jax.random.normal(ks[0], (N_NODES, D_IN), dtype=jnp.float32)
    edge_index = jax.random.randint(ks[1], (2, N_EDGES), 0, N_NODES, dtype=jnp.int64)
    # Layer 1: SAGEConv(128 -> 64): W_l (neighbor branch, with bias), W_r (root branch, no bias)
    W_l1 = _glorot(ks[2], (D_IN, D_HID))
    b_l1 = jnp.zeros((D_HID,), dtype=jnp.float32)
    W_r1 = _glorot(ks[3], (D_IN, D_HID))
    # Layer 2: SAGEConv(64 -> 128)
    W_l2 = _glorot(ks[4], (D_HID, D_OUT))
    b_l2 = jnp.zeros((D_OUT,), dtype=jnp.float32)
    W_r2 = _glorot(ks[5], (D_HID, D_OUT))
    return {
        "x": x,
        "edge_index": edge_index,
        "W_l1": W_l1,
        "b_l1": b_l1,
        "W_r1": W_r1,
        "W_l2": W_l2,
        "b_l2": b_l2,
        "W_r2": W_r2,
    }


def _sage_conv(x, edge_index, W_l, b_l, W_r):
    # PyG SAGEConv with aggr='mean': out = lin_l(mean_{j in N(i)} x_j) + lin_r(x_i)
    src = edge_index[0]
    dst = edge_index[1]
    msgs = jnp.take(x, src, axis=0)                                  # gather
    agg = jax.ops.segment_sum(msgs, dst, num_segments=x.shape[0])    # scatter-add
    cnt = jax.ops.segment_sum(jnp.ones((edge_index.shape[1],), dtype=x.dtype), dst,
                              num_segments=x.shape[0])
    mean = agg / jnp.clip(cnt, 1.0, None)[:, None]
    return mean @ W_l + b_l + x @ W_r


def reference(x, edge_index, W_l1, b_l1, W_r1, W_l2, b_l2, W_r2):
    # Layer 1 + ReLU (dropout is identity in eval mode)
    h = _sage_conv(x, edge_index, W_l1, b_l1, W_r1)
    h = jax.nn.relu(h)
    # Layer 2 (final layer: no activation)
    out = _sage_conv(h, edge_index, W_l2, b_l2, W_r2)
    return out

if __name__ == "__main__":
    import jax
    _d = setup_inputs()
    print(jax.jit(kernel)(*tuple(_d.values())))

</pallas_src>

<mosaic_0001>
#map = affine_map<(d0, d1) -> (0, 0)>
#map1 = affine_map<(d0, d1) -> (0, 0, 0)>
module attributes {stable_mosaic.version = 14 : i64} {
  func.func @body(%arg0: i32, %arg1: i32, %arg2: memref<10000x128xf32, #tpu.memory_space<hbm>>, %arg3: memref<2x327680xi32, #tpu.memory_space<hbm>>, %arg4: memref<2x10240x128xf32, #tpu.memory_space<hbm>>, %arg5: memref<2x128xi32, #tpu.memory_space<vmem>>, %arg6: memref<2x128xi32, #tpu.memory_space<vmem>>, %arg7: memref<128x128xf32, #tpu.memory_space<vmem>>, %arg8: memref<128x128xf32, #tpu.memory_space<vmem>>, %arg9: memref<16x128xf32, #tpu.memory_space<vmem>>, %arg10: memref<10240x128xf32, #tpu.memory_space<vmem_shared>>, %arg11: memref<!tpu.dma_semaphore, #tpu.memory_space<semaphore_mem>>, %arg12: memref<!tpu.dma_semaphore, #tpu.memory_space<semaphore_mem>>, %arg13: memref<!tpu.dma_semaphore, #tpu.memory_space<semaphore_mem>>, %arg14: memref<!tpu.dma_semaphore, #tpu.memory_space<semaphore_mem>>) attributes {dimension_semantics = [#tpu.dimension_semantics<core_parallel>, #tpu.dimension_semantics<subcore_parallel>], iteration_bounds = array<i64: 2, 16>, scalar_prefetch = 0 : i64, scratch_operands = 10 : i64, tpu.core_type = #tpu.core_type<sc_vector_subcore>, window_params = [{transform_indices = #map}, {transform_indices = #map}, {transform_indices = #map1}]} {
    %mul3A = arith.constant 2 : i32
    %mul3A_0 = arith.muli %arg1, %mul3A : i32
    %add3A = arith.addi %mul3A_0, %arg0 : i32
    %eq3A = arith.constant 0 : i32
    %eq3A_1 = arith.cmpi eq, %arg0, %eq3A : i32
    %jit3A = arith.constant 124 : i32
    %jit3A_2 = arith.constant 36 : i32
    %select_n3A = arith.select %eq3A_1, %jit3A, %jit3A_2 : i32
    %eq3A_3 = arith.constant 0 : i32
    %eq3A_4 = arith.cmpi eq, %arg0, %eq3A_3 : i32
    %mul3A_5 = arith.constant 124 : i32
    %mul3A_6 = arith.muli %arg1, %mul3A_5 : i32
    %mul3A_7 = arith.constant 36 : i32
    %mul3A_8 = arith.muli %arg1, %mul3A_7 : i32
    %add3A_9 = arith.constant 1984 : i32
    %add3A_10 = arith.addi %add3A_9, %mul3A_8 : i32
    %select_n3A_11 = arith.select %eq3A_4, %mul3A_6, %add3A_10 : i32
    %broadcast_in_dim3A = arith.constant 0.000000e+00 : f32
    %broadcast_in_dim3A_12 = vector.broadcast %broadcast_in_dim3A : f32 to vector<16xf32>
    %scan3A = arith.constant 0 : i32
    %scan3A_13 = arith.constant 0 : i32
    %scan3A_14 = arith.constant 16 : i32
    %scan3A_15 = arith.addi %scan3A_13, %scan3A_14 : i32
    %scan3A_16 = arith.constant 1 : i32
    scf.for %scan3A_74 = %scan3A_13 to %scan3A_15 step %scan3A_16  : i32 {
      %swap3A = arith.index_cast %scan3A_74 : i32 to index
      %swap3A_75 = arith.constant 0 : index
      %swap3A_76 = tpu.vector_load %arg9[%swap3A, %swap3A_75] {strides = array<i32>} : memref<16x128xf32, #tpu.memory_space<vmem>>, vector<16xf32>,
      tpu.vector_store %arg9[%swap3A, %swap3A_75], %broadcast_in_dim3A_12 {strides = array<i32>} : memref<16x128xf32, #tpu.memory_space<vmem>>, vector<16xf32>,
      %swap3A_77 = arith.index_cast %scan3A_74 : i32 to index
      %swap3A_78 = arith.constant 16 : index
      %swap3A_79 = tpu.vector_load %arg9[%swap3A_77, %swap3A_78] {strides = array<i32>} : memref<16x128xf32, #tpu.memory_space<vmem>>, vector<16xf32>,
      tpu.vector_store %arg9[%swap3A_77, %swap3A_78], %broadcast_in_dim3A_12 {strides = array<i32>} : memref<16x128xf32, #tpu.memory_space<vmem>>, vector<16xf32>,
      %swap3A_80 = arith.index_cast %scan3A_74 : i32 to index
      %swap3A_81 = arith.constant 32 : index
      %swap3A_82 = tpu.vector_load %arg9[%swap3A_80, %swap3A_81] {strides = array<i32>} : memref<16x128xf32, #tpu.memory_space<vmem>>, vector<16xf32>,
      tpu.vector_store %arg9[%swap3A_80, %swap3A_81], %broadcast_in_dim3A_12 {strides = array<i32>} : memref<16x128xf32, #tpu.memory_space<vmem>>, vector<16xf32>,
      %swap3A_83 = arith.index_cast %scan3A_74 : i32 to index
      %swap3A_84 = arith.constant 48 : index
      %swap3A_85 = tpu.vector_load %arg9[%swap3A_83, %swap3A_84] {strides = array<i32>} : memref<16x128xf32, #tpu.memory_space<vmem>>, vector<16xf32>,
      tpu.vector_store %arg9[%swap3A_83, %swap3A_84], %broadcast_in_dim3A_12 {strides = array<i32>} : memref<16x128xf32, #tpu.memory_space<vmem>>, vector<16xf32>,
      %swap3A_86 = arith.index_cast %scan3A_74 : i32 to index
      %swap3A_87 = arith.constant 64 : index
      %swap3A_88 = tpu.vector_load %arg9[%swap3A_86, %swap3A_87] {strides = array<i32>} : memref<16x128xf32, #tpu.memory_space<vmem>>, vector<16xf32>,
      tpu.vector_store %arg9[%swap3A_86, %swap3A_87], %broadcast_in_dim3A_12 {strides = array<i32>} : memref<16x128xf32, #tpu.memory_space<vmem>>, vector<16xf32>,
      %swap3A_89 = arith.index_cast %scan3A_74 : i32 to index
      %swap3A_90 = arith.constant 80 : index
      %swap3A_91 = tpu.vector_load %arg9[%swap3A_89, %swap3A_90] {strides = array<i32>} : memref<16x128xf32, #tpu.memory_space<vmem>>, vector<16xf32>,
      tpu.vector_store %arg9[%swap3A_89, %swap3A_90], %broadcast_in_dim3A_12 {strides = array<i32>} : memref<16x128xf32, #tpu.memory_space<vmem>>, vector<16xf32>,
      %swap3A_92 = arith.index_cast %scan3A_74 : i32 to index
      %swap3A_93 = arith.constant 96 : index
      %swap3A_94 = tpu.vector_load %arg9[%swap3A_92, %swap3A_93] {strides = array<i32>} : memref<16x128xf32, #tpu.memory_space<vmem>>, vector<16xf32>,
      tpu.vector_store %arg9[%swap3A_92, %swap3A_93], %broadcast_in_dim3A_12 {strides = array<i32>} : memref<16x128xf32, #tpu.memory_space<vmem>>, vector<16xf32>,
      %swap3A_95 = arith.index_cast %scan3A_74 : i32 to index
      %swap3A_96 = arith.constant 112 : index
      %swap3A_97 = tpu.vector_load %arg9[%swap3A_95, %swap3A_96] {strides = array<i32>} : memref<16x128xf32, #tpu.memory_space<vmem>>, vector<16xf32>,
      tpu.vector_store %arg9[%swap3A_95, %swap3A_96], %broadcast_in_dim3A_12 {strides = array<i32>} : memref<16x128xf32, #tpu.memory_space<vmem>>, vector<16xf32>,
    }
    %scan3A_17 = arith.constant 16 : i32
    %scan3A_18 = arith.constant 0 : i32
    %scan3A_19 = arith.constant 0 : i32
    %scan3A_20 = arith.constant 40 : i32
    %scan3A_21 = arith.addi %scan3A_19, %scan3A_20 : i32
    %scan3A_22 = arith.constant 1 : i32
    scf.for %scan3A_74 = %scan3A_19 to %scan3A_21 step %scan3A_22  : i32 {
      %mul3A_75 = arith.constant 640 : i32
      %mul3A_76 = arith.muli %arg1, %mul3A_75 : i32
      %mul3A_77 = arith.constant 16 : i32
      %mul3A_78 = arith.muli %scan3A_74, %mul3A_77 : i32
      %add3A_79 = arith.addi %mul3A_76, %mul3A_78 : i32
      "tpu.region"() ({
        %run_scoped3A = tpu.sem_alloc : memref<!tpu.dma_semaphore, #tpu.memory_space<semaphore_mem>>
        %dma_start3A_80 = arith.constant 0 : i32
        %dma_start3A_81 = tpu.memref_slice %arg10[%add3A_79, %dma_start3A_80] : memref<10240x128xf32, #tpu.memory_space<vmem_shared>> -> memref<16x128xf32, #tpu.memory_space<vmem_shared>>
        %dma_start3A_82 = arith.constant 0 : i32
        %dma_start3A_83 = tpu.memref_slice %arg10[%add3A_79, %dma_start3A_82] : memref<10240x128xf32, #tpu.memory_space<vmem_shared>> -> memref<16x128xf32, #tpu.memory_space<vmem_shared>>
        tpu.enqueue_dma source(%arg9 : memref<16x128xf32, #tpu.memory_space<vmem>>) target(%dma_start3A_83 : memref<16x128xf32, #tpu.memory_space<vmem_shared>>) target_semaphore(%run_scoped3A : memref<!tpu.dma_semaphore, #tpu.memory_space<semaphore_mem>>)
        %dma_wait3A = arith.constant 0 : i32
        %dma_wait3A_84 = tpu.memref_slice %arg10[%add3A_79, %dma_wait3A] : memref<10240x128xf32, #tpu.memory_space<vmem_shared>> -> memref<16x128xf32, #tpu.memory_space<vmem_shared>>
        %dma_wait3A_85 = arith.constant 0 : i32
        %dma_wait3A_86 = tpu.memref_slice %arg10[%add3A_79, %dma_wait3A_85] : memref<10240x128xf32, #tpu.memory_space<vmem_shared>> -> memref<16x128xf32, #tpu.memory_space<vmem_shared>>
        tpu.wait_dma2 semaphore(%run_scoped3A : memref<!tpu.dma_semaphore, #tpu.memory_space<semaphore_mem>>) src(%arg9 : memref<16x128xf32, #tpu.memory_space<vmem>>) dst(%dma_wait3A_86 : memref<16x128xf32, #tpu.memory_space<vmem_shared>>)
        tpu.yield
      }) : () -> ()
    }
    %scan3A_23 = arith.constant 40 : i32
    %barrier3A = arith.constant 0 : index
    tpu.barrier barrier_id(%barrier3A)
    %broadcast_in_dim3A_24 = arith.constant 1.000000e+00 : f32
    %broadcast_in_dim3A_25 = vector.broadcast %broadcast_in_dim3A_24 : f32 to vector<16xf32>
    %mul3A_26 = arith.constant 128 : i32
    %mul3A_27 = arith.muli %select_n3A_11, %mul3A_26 : i32
    "tpu.region"() ({
      %run_scoped3A = tpu.sem_alloc : memref<!tpu.dma_semaphore, #tpu.memory_space<semaphore_mem>>
      %dma_start3A_74 = arith.constant 0 : i32
      %dma_start3A_75 = tpu.memref_slice %arg3[%dma_start3A_74, %mul3A_27] : memref<2x327680xi32, #tpu.memory_space<hbm>> -> memref<2x128xi32, #tpu.memory_space<hbm>>
      %dma_start3A_76 = arith.constant 0 : i32
      %dma_start3A_77 = tpu.memref_slice %arg3[%dma_start3A_76, %mul3A_27] : memref<2x327680xi32, #tpu.memory_space<hbm>> -> memref<2x128xi32, #tpu.memory_space<hbm>>
      tpu.enqueue_dma source(%dma_start3A_77 : memref<2x128xi32, #tpu.memory_space<hbm>>) target(%arg5 : memref<2x128xi32, #tpu.memory_space<vmem>>) target_semaphore(%run_scoped3A : memref<!tpu.dma_semaphore, #tpu.memory_space<semaphore_mem>>)
      %dma_wait3A = arith.constant 0 : i32
      %dma_wait3A_78 = tpu.memref_slice %arg3[%dma_wait3A, %mul3A_27] : memref<2x327680xi32, #tpu.memory_space<hbm>> -> memref<2x128xi32, #tpu.memory_space<hbm>>
      %dma_wait3A_79 = arith.constant 0 : i32
      %dma_wait3A_80 = tpu.memref_slice %arg3[%dma_wait3A_79, %mul3A_27] : memref<2x327680xi32, #tpu.memory_space<hbm>> -> memref<2x128xi32, #tpu.memory_space<hbm>>
      tpu.wait_dma2 semaphore(%run_scoped3A : memref<!tpu.dma_semaphore, #tpu.memory_space<semaphore_mem>>) src(%dma_wait3A_80 : memref<2x128xi32, #tpu.memory_space<hbm>>) dst(%arg5 : memref<2x128xi32, #tpu.memory_space<vmem>>)
      tpu.yield
    }) : () -> ()
    %dma_start3A = arith.constant 0 : i32
    %dma_start3A_28 = arith.constant 0 : i32
    %dma_start3A_29 = tpu.memref_slice %arg5[%dma_start3A, %dma_start3A_28] : memref<2x128xi32, #tpu.memory_space<vmem>> -> memref<1x128xi32, #tpu.memory_space<vmem>>
    %dma_start3A_30 = tpu.memref_squeeze %dma_start3A_29 : memref<1x128xi32, #tpu.memory_space<vmem>> -> memref<128xi32, #tpu.memory_space<vmem>>
    %dma_start3A_31 = arith.constant 0 : i32
    %dma_start3A_32 = arith.constant 0 : i32
    %dma_start3A_33 = tpu.memref_slice %arg2[%dma_start3A_31, %dma_start3A_32] : memref<10000x128xf32, #tpu.memory_space<hbm>> -> memref<10000x128xf32, #tpu.memory_space<hbm>>
    tpu.enqueue_indirect_dma source(%dma_start3A_33 : memref<10000x128xf32, #tpu.memory_space<hbm>>) target(%arg7 : memref<128x128xf32, #tpu.memory_space<vmem>>) offsets(%dma_start3A_30 : memref<128xi32, #tpu.memory_space<vmem>>) semaphore(%arg11 : memref<!tpu.dma_semaphore, #tpu.memory_space<semaphore_mem>>)
    %add3A_34 = arith.constant 1 : i32
    %add3A_35 = arith.addi %select_n3A_11, %add3A_34 : i32
    %mul3A_36 = arith.constant 128 : i32
    %mul3A_37 = arith.muli %add3A_35, %mul3A_36 : i32
    %dma_start3A_38 = arith.constant 0 : i32
    %dma_start3A_39 = tpu.memref_slice %arg3[%dma_start3A_38, %mul3A_37] : memref<2x327680xi32, #tpu.memory_space<hbm>> -> memref<2x128xi32, #tpu.memory_space<hbm>>
    %dma_start3A_40 = arith.constant 0 : i32
    %dma_start3A_41 = tpu.memref_slice %arg3[%dma_start3A_40, %mul3A_37] : memref<2x327680xi32, #tpu.memory_space<hbm>> -> memref<2x128xi32, #tpu.memory_space<hbm>>
    tpu.enqueue_dma source(%dma_start3A_41 : memref<2x128xi32, #tpu.memory_space<hbm>>) target(%arg6 : memref<2x128xi32, #tpu.memory_space<vmem>>) target_semaphore(%arg14 : memref<!tpu.dma_semaphore, #tpu.memory_space<semaphore_mem>>)
    %jit3A_42 = arith.constant 2 : i32
    %div3A = arith.divsi %select_n3A, %jit3A_42 : i32
    %sign3A = arith.constant 0 : i32
    %sign3A_43 = arith.cmpi sgt, %select_n3A, %sign3A : i32
    %sign3A_44 = arith.extui %sign3A_43 : i1 to i32
    %sign3A_45 = arith.constant 0 : i32
    %sign3A_46 = arith.cmpi slt, %select_n3A, %sign3A_45 : i32
    %sign3A_47 = arith.extui %sign3A_46 : i1 to i32
    %sign3A_48 = arith.subi %sign3A_44, %sign3A_47 : i32
    %sign3A_49 = arith.constant 0 : i32
    %sign3A_50 = arith.cmpi sgt, %jit3A_42, %sign3A_49 : i32
    %sign3A_51 = arith.extui %sign3A_50 : i1 to i32
    %sign3A_52 = arith.constant 0 : i32
    %sign3A_53 = arith.cmpi slt, %jit3A_42, %sign3A_52 : i32
    %sign3A_54 = arith.extui %sign3A_53 : i1 to i32
    %sign3A_55 = arith.subi %sign3A_51, %sign3A_54 : i32
    %ne3A = arith.cmpi ne, %sign3A_48, %sign3A_55 : i32
    %rem3A = arith.remsi %select_n3A, %jit3A_42 : i32
    %ne3A_56 = arith.constant 0 : i32
    %ne3A_57 = arith.cmpi ne, %rem3A, %ne3A_56 : i32
    %and3A = arith.andi %ne3A, %ne3A_57 : i1
    %sub3A = arith.constant 1 : i32
    %sub3A_58 = arith.subi %div3A, %sub3A : i32
    %select_n3A_59 = arith.select %and3A, %sub3A_58, %div3A : i32
    %while3A = arith.constant 0 : i32
    %while3A_60 = arith.constant 0 : i32
    %while3A_61 = arith.subi %select_n3A_59, %while3A_60 : i32
    %while3A_62 = arith.addi %while3A_60, %while3A_61 : i32
    %while3A_63 = arith.constant 1 : i32
    %while3A_64 = arith.divsi %while3A_61, %while3A_63 : i32
    %while3A_65 = arith.muli %while3A_64, %while3A_63 : i32
    %while3A_66 = arith.addi %while3A_60, %while3A_65 : i32
    %while3A_67 = arith.constant 1 : i32
    scf.for %while3A_74 = %while3A_60 to %while3A_66 step %while3A_67  : i32 {
      %mul3A_75 = arith.constant 2 : i32
      %mul3A_76 = arith.muli %mul3A_75, %while3A_74 : i32
      %add3A_77 = arith.constant 0 : i32
      %add3A_78 = arith.addi %mul3A_76, %add3A_77 : i32
      %add3A_79 = arith.constant 1 : i32
      %add3A_80 = arith.addi %add3A_78, %add3A_79 : i32
      %lt3A = arith.cmpi slt, %add3A_80, %select_n3A : i32
      %convert_element_type3A = arith.extui %lt3A : i1 to i32
      %cond3A = arith.constant 0 : i32
      %cond3A_81 = arith.cmpi ne, %convert_element_type3A, %cond3A : i32
      scf.if %cond3A_81 {
        %add3A_118 = arith.constant 1 : i32
        %add3A_119 = arith.addi %add3A_78, %add3A_118 : i32
        %add3A_120 = arith.addi %select_n3A_11, %add3A_119 : i32
        %mul3A_121 = arith.constant 128 : i32
        %mul3A_122 = arith.muli %add3A_120, %mul3A_121 : i32
        %dma_wait3A_123 = arith.constant 0 : i32
        %dma_wait3A_124 = tpu.memref_slice %arg3[%dma_wait3A_123, %mul3A_122] : memref<2x327680xi32, #tpu.memory_space<hbm>> -> memref<2x128xi32, #tpu.memory_space<hbm>>
        %dma_wait3A_125 = arith.constant 0 : i32
        %dma_wait3A_126 = tpu.memref_slice %arg3[%dma_wait3A_125, %mul3A_122] : memref<2x327680xi32, #tpu.memory_space<hbm>> -> memref<2x128xi32, #tpu.memory_space<hbm>>
        tpu.wait_dma2 semaphore(%arg14 : memref<!tpu.dma_semaphore, #tpu.memory_space<semaphore_mem>>) src(%dma_wait3A_126 : memref<2x128xi32, #tpu.memory_space<hbm>>) dst(%arg6 : memref<2x128xi32, #tpu.memory_space<vmem>>)
        %dma_start3A_127 = arith.constant 0 : i32
        %dma_start3A_128 = arith.constant 0 : i32
        %dma_start3A_129 = tpu.memref_slice %arg6[%dma_start3A_127, %dma_start3A_128] : memref<2x128xi32, #tpu.memory_space<vmem>> -> memref<1x128xi32, #tpu.memory_space<vmem>>
        %dma_start3A_130 = tpu.memref_squeeze %dma_start3A_129 : memref<1x128xi32, #tpu.memory_space<vmem>> -> memref<128xi32, #tpu.memory_space<vmem>>
        %dma_start3A_131 = arith.constant 0 : i32
        %dma_start3A_132 = arith.constant 0 : i32
        %dma_start3A_133 = tpu.memref_slice %arg2[%dma_start3A_131, %dma_start3A_132] : memref<10000x128xf32, #tpu.memory_space<hbm>> -> memref<10000x128xf32, #tpu.memory_space<hbm>>
        tpu.enqueue_indirect_dma source(%dma_start3A_133 : memref<10000x128xf32, #tpu.memory_space<hbm>>) target(%arg8 : memref<128x128xf32, #tpu.memory_space<vmem>>) offsets(%dma_start3A_130 : memref<128xi32, #tpu.memory_space<vmem>>) semaphore(%arg12 : memref<!tpu.dma_semaphore, #tpu.memory_space<semaphore_mem>>)
      } else {
      }
      %dma_wait3A = arith.constant 0 : i32
      %dma_wait3A_82 = arith.constant 0 : i32
      %dma_wait3A_83 = tpu.memref_slice %arg5[%dma_wait3A, %dma_wait3A_82] : memref<2x128xi32, #tpu.memory_space<vmem>> -> memref<1x128xi32, #tpu.memory_space<vmem>>
      %dma_wait3A_84 = tpu.memref_squeeze %dma_wait3A_83 : memref<1x128xi32, #tpu.memory_space<vmem>> -> memref<128xi32, #tpu.memory_space<vmem>>
      %dma_wait3A_85 = arith.constant 0 : i32
      %dma_wait3A_86 = arith.constant 0 : i32
      %dma_wait3A_87 = tpu.memref_slice %arg2[%dma_wait3A_85, %dma_wait3A_86] : memref<10000x128xf32, #tpu.memory_space<hbm>> -> memref<10000x128xf32, #tpu.memory_space<hbm>>
      tpu.wait_indirect_dma semaphore(%arg11 : memref<!tpu.dma_semaphore, #tpu.memory_space<semaphore_mem>>) src(%dma_wait3A_87 : memref<10000x128xf32, #tpu.memory_space<hbm>>) dst(%arg7 : memref<128x128xf32, #tpu.memory_space<vmem>>)
      %run_scoped3A = arith.constant 1 : i32
      "tpu.region"() ({
        %run_scoped3A_118 = tpu.sem_alloc : memref<!tpu.dma_semaphore, #tpu.memory_space<semaphore_mem>>
        %dma_start3A_119 = arith.constant 0 : i32
        %dma_start3A_120 = tpu.memref_slice %arg5[%run_scoped3A, %dma_start3A_119] : memref<2x128xi32, #tpu.memory_space<vmem>> -> memref<1x128xi32, #tpu.memory_space<vmem>>
        %dma_start3A_121 = tpu.memref_squeeze %dma_start3A_120 : memref<1x128xi32, #tpu.memory_space<vmem>> -> memref<128xi32, #tpu.memory_space<vmem>>
        %dma_start3A_122 = arith.constant 0 : i32
        %dma_start3A_123 = arith.constant 0 : i32
        %dma_start3A_124 = tpu.memref_slice %arg10[%dma_start3A_122, %dma_start3A_123] : memref<10240x128xf32, #tpu.memory_space<vmem_shared>> -> memref<10240x128xf32, #tpu.memory_space<vmem_shared>>
        tpu.enqueue_indirect_dma source(%arg7 : memref<128x128xf32, #tpu.memory_space<vmem>>) target(%dma_start3A_124 : memref<10240x128xf32, #tpu.memory_space<vmem_shared>>) offsets(%dma_start3A_121 : memref<128xi32, #tpu.memory_space<vmem>>) semaphore(%run_scoped3A_118 : memref<!tpu.dma_semaphore, #tpu.memory_space<semaphore_mem>>) {add = true}
        %dma_wait3A_125 = arith.constant 0 : i32
        %dma_wait3A_126 = tpu.memref_slice %arg5[%run_scoped3A, %dma_wait3A_125] : memref<2x128xi32, #tpu.memory_space<vmem>> -> memref<1x128xi32, #tpu.memory_space<vmem>>
        %dma_wait3A_127 = tpu.memref_squeeze %dma_wait3A_126 : memref<1x128xi32, #tpu.memory_space<vmem>> -> memref<128xi32, #tpu.memory_space<vmem>>
        %dma_wait3A_128 = arith.constant 0 : i32
        %dma_wait3A_129 = arith.constant 0 : i32
        %dma_wait3A_130 = tpu.memref_slice %arg10[%dma_wait3A_128, %dma_wait3A_129] : memref<10240x128xf32, #tpu.memory_space<vmem_shared>> -> memref<10240x128xf32, #tpu.memory_space<vmem_shared>>
        tpu.wait_indirect_dma semaphore(%run_scoped3A_118 : memref<!tpu.dma_semaphore, #tpu.memory_space<semaphore_mem>>) src(%arg7 : memref<128x128xf32, #tpu.memory_space<vmem>>) dst(%dma_wait3A_130 : memref<10240x128xf32, #tpu.memory_space<vmem_shared>>)
        tpu.yield
      }) : () -> ()
      %add3A_88 = arith.constant 2 : i32
      %add3A_89 = arith.addi %add3A_78, %add3A_88 : i32
      %lt3A_90 = arith.cmpi slt, %add3A_89, %select_n3A : i32
      %convert_element_type3A_91 = arith.extui %lt3A_90 : i1 to i32
      %cond3A_92 = arith.constant 0 : i32
      %cond3A_93 = arith.cmpi ne, %convert_element_type3A_91, %cond3A_92 : i32
      scf.if %cond3A_93 {
        %add3A_118 = arith.constant 2 : i32
        %add3A_119 = arith.addi %add3A_78, %add3A_118 : i32
        %add3A_120 = arith.addi %select_n3A_11, %add3A_119 : i32
        %mul3A_121 = arith.constant 128 : i32
        %mul3A_122 = arith.muli %add3A_120, %mul3A_121 : i32
        %dma_start3A_123 = arith.constant 0 : i32
        %dma_start3A_124 = tpu.memref_slice %arg3[%dma_start3A_123, %mul3A_122] : memref<2x327680xi32, #tpu.memory_space<hbm>> -> memref<2x128xi32, #tpu.memory_space<hbm>>
        %dma_start3A_125 = arith.constant 0 : i32
        %dma_start3A_126 = tpu.memref_slice %arg3[%dma_start3A_125, %mul3A_122] : memref<2x327680xi32, #tpu.memory_space<hbm>> -> memref<2x128xi32, #tpu.memory_space<hbm>>
        tpu.enqueue_dma source(%dma_start3A_126 : memref<2x128xi32, #tpu.memory_space<hbm>>) target(%arg5 : memref<2x128xi32, #tpu.memory_space<vmem>>) target_semaphore(%arg13 : memref<!tpu.dma_semaphore, #tpu.memory_space<semaphore_mem>>)
      } else {
      }
      %mul3A_94 = arith.constant 2 : i32
      %mul3A_95 = arith.muli %mul3A_94, %while3A_74 : i32
      %add3A_96 = arith.constant 1 : i32
      %add3A_97 = arith.addi %mul3A_95, %add3A_96 : i32
      %add3A_98 = arith.constant 1 : i32
      %add3A_99 = arith.addi %add3A_97, %add3A_98 : i32
      %lt3A_100 = arith.cmpi slt, %add3A_99, %select_n3A : i32
      %convert_element_type3A_101 = arith.extui %lt3A_100 : i1 to i32
      %cond3A_102 = arith.constant 0 : i32
      %cond3A_103 = arith.cmpi ne, %convert_element_type3A_101, %cond3A_102 : i32
      scf.if %cond3A_103 {
        %add3A_118 = arith.constant 1 : i32
        %add3A_119 = arith.addi %add3A_97, %add3A_118 : i32
        %add3A_120 = arith.addi %select_n3A_11, %add3A_119 : i32
        %mul3A_121 = arith.constant 128 : i32
        %mul3A_122 = arith.muli %add3A_120, %mul3A_121 : i32
        %dma_wait3A_123 = arith.constant 0 : i32
        %dma_wait3A_124 = tpu.memref_slice %arg3[%dma_wait3A_123, %mul3A_122] : memref<2x327680xi32, #tpu.memory_space<hbm>> -> memref<2x128xi32, #tpu.memory_space<hbm>>
        %dma_wait3A_125 = arith.constant 0 : i32
        %dma_wait3A_126 = tpu.memref_slice %arg3[%dma_wait3A_125, %mul3A_122] : memref<2x327680xi32, #tpu.memory_space<hbm>> -> memref<2x128xi32, #tpu.memory_space<hbm>>
        tpu.wait_dma2 semaphore(%arg13 : memref<!tpu.dma_semaphore, #tpu.memory_space<semaphore_mem>>) src(%dma_wait3A_126 : memref<2x128xi32, #tpu.memory_space<hbm>>) dst(%arg5 : memref<2x128xi32, #tpu.memory_space<vmem>>)
        %dma_start3A_127 = arith.constant 0 : i32
        %dma_start3A_128 = arith.constant 0 : i32
        %dma_start3A_129 = tpu.memref_slice %arg5[%dma_start3A_127, %dma_start3A_128] : memref<2x128xi32, #tpu.memory_space<vmem>> -> memref<1x128xi32, #tpu.memory_space<vmem>>
        %dma_start3A_130 = tpu.memref_squeeze %dma_start3A_129 : memref<1x128xi32, #tpu.memory_space<vmem>> -> memref<128xi32, #tpu.memory_space<vmem>>
        %dma_start3A_131 = arith.constant 0 : i32
        %dma_start3A_132 = arith.constant 0 : i32
        %dma_start3A_133 = tpu.memref_slice %arg2[%dma_start3A_131, %dma_start3A_132] : memref<10000x128xf32, #tpu.memory_space<hbm>> -> memref<10000x128xf32, #tpu.memory_space<hbm>>
        tpu.enqueue_indirect_dma source(%dma_start3A_133 : memref<10000x128xf32, #tpu.memory_space<hbm>>) target(%arg7 : memref<128x128xf32, #tpu.memory_space<vmem>>) offsets(%dma_start3A_130 : memref<128xi32, #tpu.memory_space<vmem>>) semaphore(%arg11 : memref<!tpu.dma_semaphore, #tpu.memory_space<semaphore_mem>>)
      } else {
      }
      %dma_wait3A_104 = arith.constant 0 : i32
      %dma_wait3A_105 = arith.constant 0 : i32
      %dma_wait3A_106 = tpu.memref_slice %arg6[%dma_wait3A_104, %dma_wait3A_105] : memref<2x128xi32, #tpu.memory_space<vmem>> -> memref<1x128xi32, #tpu.memory_space<vmem>>
      %dma_wait3A_107 = tpu.memref_squeeze %dma_wait3A_106 : memref<1x128xi32, #tpu.memory_space<vmem>> -> memref<128xi32, #tpu.memory_space<vmem>>
      %dma_wait3A_108 = arith.constant 0 : i32
      %dma_wait3A_109 = arith.constant 0 : i32
      %dma_wait3A_110 = tpu.memref_slice %arg2[%dma_wait3A_108, %dma_wait3A_109] : memref<10000x128xf32, #tpu.memory_space<hbm>> -> memref<10000x128xf32, #tpu.memory_space<hbm>>
      tpu.wait_indirect_dma semaphore(%arg12 : memref<!tpu.dma_semaphore, #tpu.memory_space<semaphore_mem>>) src(%dma_wait3A_110 : memref<10000x128xf32, #tpu.memory_space<hbm>>) dst(%arg8 : memref<128x128xf32, #tpu.memory_space<vmem>>)
      %run_scoped3A_111 = arith.constant 1 : i32
      "tpu.region"() ({
        %run_scoped3A_118 = tpu.sem_alloc : memref<!tpu.dma_semaphore, #tpu.memory_space<semaphore_mem>>
        %dma_start3A_119 = arith.constant 0 : i32
        %dma_start3A_120 = tpu.memref_slice %arg6[%run_scoped3A_111, %dma_start3A_119] : memref<2x128xi32, #tpu.memory_space<vmem>> -> memref<1x128xi32, #tpu.memory_space<vmem>>
        %dma_start3A_121 = tpu.memref_squeeze %dma_start3A_120 : memref<1x128xi32, #tpu.memory_space<vmem>> -> memref<128xi32, #tpu.memory_space<vmem>>
        %dma_start3A_122 = arith.constant 0 : i32
        %dma_start3A_123 = arith.constant 0 : i32
        %dma_start3A_124 = tpu.memref_slice %arg10[%dma_start3A_122, %dma_start3A_123] : memref<10240x128xf32, #tpu.memory_space<vmem_shared>> -> memref<10240x128xf32, #tpu.memory_space<vmem_shared>>
        tpu.enqueue_indirect_dma source(%arg8 : memref<128x128xf32, #tpu.memory_space<vmem>>) target(%dma_start3A_124 : memref<10240x128xf32, #tpu.memory_space<vmem_shared>>) offsets(%dma_start3A_121 : memref<128xi32, #tpu.memory_space<vmem>>) semaphore(%run_scoped3A_118 : memref<!tpu.dma_semaphore, #tpu.memory_space<semaphore_mem>>) {add = true}
        %dma_wait3A_125 = arith.constant 0 : i32
        %dma_wait3A_126 = tpu.memref_slice %arg6[%run_scoped3A_111, %dma_wait3A_125] : memref<2x128xi32, #tpu.memory_space<vmem>> -> memref<1x128xi32, #tpu.memory_space<vmem>>
        %dma_wait3A_127 = tpu.memref_squeeze %dma_wait3A_126 : memref<1x128xi32, #tpu.memory_space<vmem>> -> memref<128xi32, #tpu.memory_space<vmem>>
        %dma_wait3A_128 = arith.constant 0 : i32
        %dma_wait3A_129 = arith.constant 0 : i32
        %dma_wait3A_130 = tpu.memref_slice %arg10[%dma_wait3A_128, %dma_wait3A_129] : memref<10240x128xf32, #tpu.memory_space<vmem_shared>> -> memref<10240x128xf32, #tpu.memory_space<vmem_shared>>
        tpu.wait_indirect_dma semaphore(%run_scoped3A_118 : memref<!tpu.dma_semaphore, #tpu.memory_space<semaphore_mem>>) src(%arg8 : memref<128x128xf32, #tpu.memory_space<vmem>>) dst(%dma_wait3A_130 : memref<10240x128xf32, #tpu.memory_space<vmem_shared>>)
        tpu.yield
      }) : () -> ()
      %add3A_112 = arith.constant 2 : i32
      %add3A_113 = arith.addi %add3A_97, %add3A_112 : i32
      %lt3A_114 = arith.cmpi slt, %add3A_113, %select_n3A : i32
      %convert_element_type3A_115 = arith.extui %lt3A_114 : i1 to i32
      %cond3A_116 = arith.constant 0 : i32
      %cond3A_117 = arith.cmpi ne, %convert_element_type3A_115, %cond3A_116 : i32
      scf.if %cond3A_117 {
        %add3A_118 = arith.constant 2 : i32
        %add3A_119 = arith.addi %add3A_97, %add3A_118 : i32
        %add3A_120 = arith.addi %select_n3A_11, %add3A_119 : i32
        %mul3A_121 = arith.constant 128 : i32
        %mul3A_122 = arith.muli %add3A_120, %mul3A_121 : i32
        %dma_start3A_123 = arith.constant 0 : i32
        %dma_start3A_124 = tpu.memref_slice %arg3[%dma_start3A_123, %mul3A_122] : memref<2x327680xi32, #tpu.memory_space<hbm>> -> memref<2x128xi32, #tpu.memory_space<hbm>>
        %dma_start3A_125 = arith.constant 0 : i32
        %dma_start3A_126 = tpu.memref_slice %arg3[%dma_start3A_125, %mul3A_122] : memref<2x327680xi32, #tpu.memory_space<hbm>> -> memref<2x128xi32, #tpu.memory_space<hbm>>
        tpu.enqueue_dma source(%dma_start3A_126 : memref<2x128xi32, #tpu.memory_space<hbm>>) target(%arg6 : memref<2x128xi32, #tpu.memory_space<vmem>>) target_semaphore(%arg14 : memref<!tpu.dma_semaphore, #tpu.memory_space<semaphore_mem>>)
      } else {
      }
    }
    %while3A_68 = arith.constant 1 : i32
    scf.for %while3A_74 = %while3A_66 to %while3A_62 step %while3A_68  : i32 {
      %mul3A_75 = arith.constant 2 : i32
      %mul3A_76 = arith.muli %mul3A_75, %while3A_74 : i32
      %add3A_77 = arith.constant 0 : i32
      %add3A_78 = arith.addi %mul3A_76, %add3A_77 : i32
      %add3A_79 = arith.constant 1 : i32
      %add3A_80 = arith.addi %add3A_78, %add3A_79 : i32
      %lt3A = arith.cmpi slt, %add3A_80, %select_n3A : i32
      %convert_element_type3A = arith.extui %lt3A : i1 to i32
      %cond3A = arith.constant 0 : i32
      %cond3A_81 = arith.cmpi ne, %convert_element_type3A, %cond3A : i32
      scf.if %cond3A_81 {
        %add3A_118 = arith.constant 1 : i32
        %add3A_119 = arith.addi %add3A_78, %add3A_118 : i32
        %add3A_120 = arith.addi %select_n3A_11, %add3A_119 : i32
        %mul3A_121 = arith.constant 128 : i32
        %mul3A_122 = arith.muli %add3A_120, %mul3A_121 : i32
        %dma_wait3A_123 = arith.constant 0 : i32
        %dma_wait3A_124 = tpu.memref_slice %arg3[%dma_wait3A_123, %mul3A_122] : memref<2x327680xi32, #tpu.memory_space<hbm>> -> memref<2x128xi32, #tpu.memory_space<hbm>>
        %dma_wait3A_125 = arith.constant 0 : i32
        %dma_wait3A_126 = tpu.memref_slice %arg3[%dma_wait3A_125, %mul3A_122] : memref<2x327680xi32, #tpu.memory_space<hbm>> -> memref<2x128xi32, #tpu.memory_space<hbm>>
        tpu.wait_dma2 semaphore(%arg14 : memref<!tpu.dma_semaphore, #tpu.memory_space<semaphore_mem>>) src(%dma_wait3A_126 : memref<2x128xi32, #tpu.memory_space<hbm>>) dst(%arg6 : memref<2x128xi32, #tpu.memory_space<vmem>>)
        %dma_start3A_127 = arith.constant 0 : i32
        %dma_start3A_128 = arith.constant 0 : i32
        %dma_start3A_129 = tpu.memref_slice %arg6[%dma_start3A_127, %dma_start3A_128] : memref<2x128xi32, #tpu.memory_space<vmem>> -> memref<1x128xi32, #tpu.memory_space<vmem>>
        %dma_start3A_130 = tpu.memref_squeeze %dma_start3A_129 : memref<1x128xi32, #tpu.memory_space<vmem>> -> memref<128xi32, #tpu.memory_space<vmem>>
        %dma_start3A_131 = arith.constant 0 : i32
        %dma_start3A_132 = arith.constant 0 : i32
        %dma_start3A_133 = tpu.memref_slice %arg2[%dma_start3A_131, %dma_start3A_132] : memref<10000x128xf32, #tpu.memory_space<hbm>> -> memref<10000x128xf32, #tpu.memory_space<hbm>>
        tpu.enqueue_indirect_dma source(%dma_start3A_133 : memref<10000x128xf32, #tpu.memory_space<hbm>>) target(%arg8 : memref<128x128xf32, #tpu.memory_space<vmem>>) offsets(%dma_start3A_130 : memref<128xi32, #tpu.memory_space<vmem>>) semaphore(%arg12 : memref<!tpu.dma_semaphore, #tpu.memory_space<semaphore_mem>>)
      } else {
      }
      %dma_wait3A = arith.constant 0 : i32
      %dma_wait3A_82 = arith.constant 0 : i32
      %dma_wait3A_83 = tpu.memref_slice %arg5[%dma_wait3A, %dma_wait3A_82] : memref<2x128xi32, #tpu.memory_space<vmem>> -> memref<1x128xi32, #tpu.memory_space<vmem>>
      %dma_wait3A_84 = tpu.memref_squeeze %dma_wait3A_83 : memref<1x128xi32, #tpu.memory_space<vmem>> -> memref<128xi32, #tpu.memory_space<vmem>>
      %dma_wait3A_85 = arith.constant 0 : i32
      %dma_wait3A_86 = arith.constant 0 : i32
      %dma_wait3A_87 = tpu.memref_slice %arg2[%dma_wait3A_85, %dma_wait3A_86] : memref<10000x128xf32, #tpu.memory_space<hbm>> -> memref<10000x128xf32, #tpu.memory_space<hbm>>
      tpu.wait_indirect_dma semaphore(%arg11 : memref<!tpu.dma_semaphore, #tpu.memory_space<semaphore_mem>>) src(%dma_wait3A_87 : memref<10000x128xf32, #tpu.memory_space<hbm>>) dst(%arg7 : memref<128x128xf32, #tpu.memory_space<vmem>>)
      %run_scoped3A = arith.constant 1 : i32
      "tpu.region"() ({
        %run_scoped3A_118 = tpu.sem_alloc : memref<!tpu.dma_semaphore, #tpu.memory_space<semaphore_mem>>
        %dma_start3A_119 = arith.constant 0 : i32
        %dma_start3A_120 = tpu.memref_slice %arg5[%run_scoped3A, %dma_start3A_119] : memref<2x128xi32, #tpu.memory_space<vmem>> -> memref<1x128xi32, #tpu.memory_space<vmem>>
        %dma_start3A_121 = tpu.memref_squeeze %dma_start3A_120 : memref<1x128xi32, #tpu.memory_space<vmem>> -> memref<128xi32, #tpu.memory_space<vmem>>
        %dma_start3A_122 = arith.constant 0 : i32
        %dma_start3A_123 = arith.constant 0 : i32
        %dma_start3A_124 = tpu.memref_slice %arg10[%dma_start3A_122, %dma_start3A_123] : memref<10240x128xf32, #tpu.memory_space<vmem_shared>> -> memref<10240x128xf32, #tpu.memory_space<vmem_shared>>
        tpu.enqueue_indirect_dma source(%arg7 : memref<128x128xf32, #tpu.memory_space<vmem>>) target(%dma_start3A_124 : memref<10240x128xf32, #tpu.memory_space<vmem_shared>>) offsets(%dma_start3A_121 : memref<128xi32, #tpu.memory_space<vmem>>) semaphore(%run_scoped3A_118 : memref<!tpu.dma_semaphore, #tpu.memory_space<semaphore_mem>>) {add = true}
        %dma_wait3A_125 = arith.constant 0 : i32
        %dma_wait3A_126 = tpu.memref_slice %arg5[%run_scoped3A, %dma_wait3A_125] : memref<2x128xi32, #tpu.memory_space<vmem>> -> memref<1x128xi32, #tpu.memory_space<vmem>>
        %dma_wait3A_127 = tpu.memref_squeeze %dma_wait3A_126 : memref<1x128xi32, #tpu.memory_space<vmem>> -> memref<128xi32, #tpu.memory_space<vmem>>
        %dma_wait3A_128 = arith.constant 0 : i32
        %dma_wait3A_129 = arith.constant 0 : i32
        %dma_wait3A_130 = tpu.memref_slice %arg10[%dma_wait3A_128, %dma_wait3A_129] : memref<10240x128xf32, #tpu.memory_space<vmem_shared>> -> memref<10240x128xf32, #tpu.memory_space<vmem_shared>>
        tpu.wait_indirect_dma semaphore(%run_scoped3A_118 : memref<!tpu.dma_semaphore, #tpu.memory_space<semaphore_mem>>) src(%arg7 : memref<128x128xf32, #tpu.memory_space<vmem>>) dst(%dma_wait3A_130 : memref<10240x128xf32, #tpu.memory_space<vmem_shared>>)
        tpu.yield
      }) : () -> ()
      %add3A_88 = arith.constant 2 : i32
      %add3A_89 = arith.addi %add3A_78, %add3A_88 : i32
      %lt3A_90 = arith.cmpi slt, %add3A_89, %select_n3A : i32
      %convert_element_type3A_91 = arith.extui %lt3A_90 : i1 to i32
      %cond3A_92 = arith.constant 0 : i32
      %cond3A_93 = arith.cmpi ne, %convert_element_type3A_91, %cond3A_92 : i32
      scf.if %cond3A_93 {
        %add3A_118 = arith.constant 2 : i32
        %add3A_119 = arith.addi %add3A_78, %add3A_118 : i32
        %add3A_120 = arith.addi %select_n3A_11, %add3A_119 : i32
        %mul3A_121 = arith.constant 128 : i32
        %mul3A_122 = arith.muli %add3A_120, %mul3A_121 : i32
        %dma_start3A_123 = arith.constant 0 : i32
        %dma_start3A_124 = tpu.memref_slice %arg3[%dma_start3A_123, %mul3A_122] : memref<2x327680xi32, #tpu.memory_space<hbm>> -> memref<2x128xi32, #tpu.memory_space<hbm>>
        %dma_start3A_125 = arith.constant 0 : i32
        %dma_start3A_126 = tpu.memref_slice %arg3[%dma_start3A_125, %mul3A_122] : memref<2x327680xi32, #tpu.memory_space<hbm>> -> memref<2x128xi32, #tpu.memory_space<hbm>>
        tpu.enqueue_dma source(%dma_start3A_126 : memref<2x128xi32, #tpu.memory_space<hbm>>) target(%arg5 : memref<2x128xi32, #tpu.memory_space<vmem>>) target_semaphore(%arg13 : memref<!tpu.dma_semaphore, #tpu.memory_space<semaphore_mem>>)
      } else {
      }
      %mul3A_94 = arith.constant 2 : i32
      %mul3A_95 = arith.muli %mul3A_94, %while3A_74 : i32
      %add3A_96 = arith.constant 1 : i32
      %add3A_97 = arith.addi %mul3A_95, %add3A_96 : i32
      %add3A_98 = arith.constant 1 : i32
      %add3A_99 = arith.addi %add3A_97, %add3A_98 : i32
      %lt3A_100 = arith.cmpi slt, %add3A_99, %select_n3A : i32
      %convert_element_type3A_101 = arith.extui %lt3A_100 : i1 to i32
      %cond3A_102 = arith.constant 0 : i32
      %cond3A_103 = arith.cmpi ne, %convert_element_type3A_101, %cond3A_102 : i32
      scf.if %cond3A_103 {
        %add3A_118 = arith.constant 1 : i32
        %add3A_119 = arith.addi %add3A_97, %add3A_118 : i32
        %add3A_120 = arith.addi %select_n3A_11, %add3A_119 : i32
        %mul3A_121 = arith.constant 128 : i32
        %mul3A_122 = arith.muli %add3A_120, %mul3A_121 : i32
        %dma_wait3A_123 = arith.constant 0 : i32
        %dma_wait3A_124 = tpu.memref_slice %arg3[%dma_wait3A_123, %mul3A_122] : memref<2x327680xi32, #tpu.memory_space<hbm>> -> memref<2x128xi32, #tpu.memory_space<hbm>>
        %dma_wait3A_125 = arith.constant 0 : i32
        %dma_wait3A_126 = tpu.memref_slice %arg3[%dma_wait3A_125, %mul3A_122] : memref<2x327680xi32, #tpu.memory_space<hbm>> -> memref<2x128xi32, #tpu.memory_space<hbm>>
        tpu.wait_dma2 semaphore(%arg13 : memref<!tpu.dma_semaphore, #tpu.memory_space<semaphore_mem>>) src(%dma_wait3A_126 : memref<2x128xi32, #tpu.memory_space<hbm>>) dst(%arg5 : memref<2x128xi32, #tpu.memory_space<vmem>>)
        %dma_start3A_127 = arith.constant 0 : i32
        %dma_start3A_128 = arith.constant 0 : i32
        %dma_start3A_129 = tpu.memref_slice %arg5[%dma_start3A_127, %dma_start3A_128] : memref<2x128xi32, #tpu.memory_space<vmem>> -> memref<1x128xi32, #tpu.memory_space<vmem>>
        %dma_start3A_130 = tpu.memref_squeeze %dma_start3A_129 : memref<1x128xi32, #tpu.memory_space<vmem>> -> memref<128xi32, #tpu.memory_space<vmem>>
        %dma_start3A_131 = arith.constant 0 : i32
        %dma_start3A_132 = arith.constant 0 : i32
        %dma_start3A_133 = tpu.memref_slice %arg2[%dma_start3A_131, %dma_start3A_132] : memref<10000x128xf32, #tpu.memory_space<hbm>> -> memref<10000x128xf32, #tpu.memory_space<hbm>>
        tpu.enqueue_indirect_dma source(%dma_start3A_133 : memref<10000x128xf32, #tpu.memory_space<hbm>>) target(%arg7 : memref<128x128xf32, #tpu.memory_space<vmem>>) offsets(%dma_start3A_130 : memref<128xi32, #tpu.memory_space<vmem>>) semaphore(%arg11 : memref<!tpu.dma_semaphore, #tpu.memory_space<semaphore_mem>>)
      } else {
      }
      %dma_wait3A_104 = arith.constant 0 : i32
      %dma_wait3A_105 = arith.constant 0 : i32
      %dma_wait3A_106 = tpu.memref_slice %arg6[%dma_wait3A_104, %dma_wait3A_105] : memref<2x128xi32, #tpu.memory_space<vmem>> -> memref<1x128xi32, #tpu.memory_space<vmem>>
      %dma_wait3A_107 = tpu.memref_squeeze %dma_wait3A_106 : memref<1x128xi32, #tpu.memory_space<vmem>> -> memref<128xi32, #tpu.memory_space<vmem>>
      %dma_wait3A_108 = arith.constant 0 : i32
      %dma_wait3A_109 = arith.constant 0 : i32
      %dma_wait3A_110 = tpu.memref_slice %arg2[%dma_wait3A_108, %dma_wait3A_109] : memref<10000x128xf32, #tpu.memory_space<hbm>> -> memref<10000x128xf32, #tpu.memory_space<hbm>>
      tpu.wait_indirect_dma semaphore(%arg12 : memref<!tpu.dma_semaphore, #tpu.memory_space<semaphore_mem>>) src(%dma_wait3A_110 : memref<10000x128xf32, #tpu.memory_space<hbm>>) dst(%arg8 : memref<128x128xf32, #tpu.memory_space<vmem>>)
      %run_scoped3A_111 = arith.constant 1 : i32
      "tpu.region"() ({
        %run_scoped3A_118 = tpu.sem_alloc : memref<!tpu.dma_semaphore, #tpu.memory_space<semaphore_mem>>
        %dma_start3A_119 = arith.constant 0 : i32
        %dma_start3A_120 = tpu.memref_slice %arg6[%run_scoped3A_111, %dma_start3A_119] : memref<2x128xi32, #tpu.memory_space<vmem>> -> memref<1x128xi32, #tpu.memory_space<vmem>>
        %dma_start3A_121 = tpu.memref_squeeze %dma_start3A_120 : memref<1x128xi32, #tpu.memory_space<vmem>> -> memref<128xi32, #tpu.memory_space<vmem>>
        %dma_start3A_122 = arith.constant 0 : i32
        %dma_start3A_123 = arith.constant 0 : i32
        %dma_start3A_124 = tpu.memref_slice %arg10[%dma_start3A_122, %dma_start3A_123] : memref<10240x128xf32, #tpu.memory_space<vmem_shared>> -> memref<10240x128xf32, #tpu.memory_space<vmem_shared>>
        tpu.enqueue_indirect_dma source(%arg8 : memref<128x128xf32, #tpu.memory_space<vmem>>) target(%dma_start3A_124 : memref<10240x128xf32, #tpu.memory_space<vmem_shared>>) offsets(%dma_start3A_121 : memref<128xi32, #tpu.memory_space<vmem>>) semaphore(%run_scoped3A_118 : memref<!tpu.dma_semaphore, #tpu.memory_space<semaphore_mem>>) {add = true}
        %dma_wait3A_125 = arith.constant 0 : i32
        %dma_wait3A_126 = tpu.memref_slice %arg6[%run_scoped3A_111, %dma_wait3A_125] : memref<2x128xi32, #tpu.memory_space<vmem>> -> memref<1x128xi32, #tpu.memory_space<vmem>>
        %dma_wait3A_127 = tpu.memref_squeeze %dma_wait3A_126 : memref<1x128xi32, #tpu.memory_space<vmem>> -> memref<128xi32, #tpu.memory_space<vmem>>
        %dma_wait3A_128 = arith.constant 0 : i32
        %dma_wait3A_129 = arith.constant 0 : i32
        %dma_wait3A_130 = tpu.memref_slice %arg10[%dma_wait3A_128, %dma_wait3A_129] : memref<10240x128xf32, #tpu.memory_space<vmem_shared>> -> memref<10240x128xf32, #tpu.memory_space<vmem_shared>>
        tpu.wait_indirect_dma semaphore(%run_scoped3A_118 : memref<!tpu.dma_semaphore, #tpu.memory_space<semaphore_mem>>) src(%arg8 : memref<128x128xf32, #tpu.memory_space<vmem>>) dst(%dma_wait3A_130 : memref<10240x128xf32, #tpu.memory_space<vmem_shared>>)
        tpu.yield
      }) : () -> ()
      %add3A_112 = arith.constant 2 : i32
      %add3A_113 = arith.addi %add3A_97, %add3A_112 : i32
      %lt3A_114 = arith.cmpi slt, %add3A_113, %select_n3A : i32
      %convert_element_type3A_115 = arith.extui %lt3A_114 : i1 to i32
      %cond3A_116 = arith.constant 0 : i32
      %cond3A_117 = arith.cmpi ne, %convert_element_type3A_115, %cond3A_116 : i32
      scf.if %cond3A_117 {
        %add3A_118 = arith.constant 2 : i32
        %add3A_119 = arith.addi %add3A_97, %add3A_118 : i32
        %add3A_120 = arith.addi %select_n3A_11, %add3A_119 : i32
        %mul3A_121 = arith.constant 128 : i32
        %mul3A_122 = arith.muli %add3A_120, %mul3A_121 : i32
        %dma_start3A_123 = arith.constant 0 : i32
        %dma_start3A_124 = tpu.memref_slice %arg3[%dma_start3A_123, %mul3A_122] : memref<2x327680xi32, #tpu.memory_space<hbm>> -> memref<2x128xi32, #tpu.memory_space<hbm>>
        %dma_start3A_125 = arith.constant 0 : i32
        %dma_start3A_126 = tpu.memref_slice %arg3[%dma_start3A_125, %mul3A_122] : memref<2x327680xi32, #tpu.memory_space<hbm>> -> memref<2x128xi32, #tpu.memory_space<hbm>>
        tpu.enqueue_dma source(%dma_start3A_126 : memref<2x128xi32, #tpu.memory_space<hbm>>) target(%arg6 : memref<2x128xi32, #tpu.memory_space<vmem>>) target_semaphore(%arg14 : memref<!tpu.dma_semaphore, #tpu.memory_space<semaphore_mem>>)
      } else {
      }
    }
    %barrier3A_69 = arith.constant 0 : index
    tpu.barrier barrier_id(%barrier3A_69)
    %mul3A_70 = arith.constant 640 : i32
    %mul3A_71 = arith.muli %arg1, %mul3A_70 : i32
    %mul3A_72 = arith.constant 640 : i32
    %mul3A_73 = arith.muli %arg1, %mul3A_72 : i32
    "tpu.region"() ({
      %run_scoped3A = tpu.sem_alloc : memref<!tpu.dma_semaphore, #tpu.memory_space<semaphore_mem>>
      %dma_start3A_74 = arith.constant 0 : i32
      %dma_start3A_75 = tpu.memref_slice %arg4[%arg0, %mul3A_73, %dma_start3A_74] : memref<2x10240x128xf32, #tpu.memory_space<hbm>> -> memref<1x640x128xf32, #tpu.memory_space<hbm>>
      %dma_start3A_76 = tpu.memref_squeeze %dma_start3A_75 : memref<1x640x128xf32, #tpu.memory_space<hbm>> -> memref<640x128xf32, #tpu.memory_space<hbm>>
      %dma_start3A_77 = arith.constant 0 : i32
      %dma_start3A_78 = tpu.memref_slice %arg10[%mul3A_71, %dma_start3A_77] : memref<10240x128xf32, #tpu.memory_space<vmem_shared>> -> memref<640x128xf32, #tpu.memory_space<vmem_shared>>
      tpu.enqueue_dma source(%dma_start3A_78 : memref<640x128xf32, #tpu.memory_space<vmem_shared>>) target(%dma_start3A_76 : memref<640x128xf32, #tpu.memory_space<hbm>>) target_semaphore(%run_scoped3A : memref<!tpu.dma_semaphore, #tpu.memory_space<semaphore_mem>>)
      %dma_wait3A = arith.constant 0 : i32
      %dma_wait3A_79 = tpu.memref_slice %arg4[%arg0, %mul3A_73, %dma_wait3A] : memref<2x10240x128xf32, #tpu.memory_space<hbm>> -> memref<1x640x128xf32, #tpu.memory_space<hbm>>
      %dma_wait3A_80 = tpu.memref_squeeze %dma_wait3A_79 : memref<1x640x128xf32, #tpu.memory_space<hbm>> -> memref<640x128xf32, #tpu.memory_space<hbm>>
      %dma_wait3A_81 = arith.constant 0 : i32
      %dma_wait3A_82 = tpu.memref_slice %arg10[%mul3A_71, %dma_wait3A_81] : memref<10240x128xf32, #tpu.memory_space<vmem_shared>> -> memref<640x128xf32, #tpu.memory_space<vmem_shared>>
      tpu.wait_dma2 semaphore(%run_scoped3A : memref<!tpu.dma_semaphore, #tpu.memory_space<semaphore_mem>>) src(%dma_wait3A_82 : memref<640x128xf32, #tpu.memory_space<vmem_shared>>) dst(%dma_wait3A_80 : memref<640x128xf32, #tpu.memory_space<hbm>>)
      tpu.yield
    }) : () -> ()
    return
  }
}

#map = affine_map<(d0, d1) -> (0, 0)>
#map1 = affine_map<(d0, d1) -> (0, 0, 0)>
module attributes {stable_mosaic.version = 14 : i64} {
  func.func @body(%arg0: i32, %arg1: i32, %arg2: memref<10000x128xf32, #tpu.memory_space<hbm>>, %arg3: memref<2x327680xi32, #tpu.memory_space<hbm>>, %arg4: memref<2x10240x128xf32, #tpu.memory_space<hbm>>, %arg5: memref<32x10240xf32, #tpu.memory_space<hbm>>, %arg6: memref<2x128xi32, #tpu.memory_space<vmem>>, %arg7: memref<2x128xi32, #tpu.memory_space<vmem>>, %arg8: memref<128x128xf32, #tpu.memory_space<vmem>>, %arg9: memref<128x128xf32, #tpu.memory_space<vmem>>, %arg10: memref<16x128xf32, #tpu.memory_space<vmem>>, %arg11: memref<10240x128xf32, #tpu.memory_space<vmem_shared>>, %arg12: memref<!tpu.dma_semaphore, #tpu.memory_space<semaphore_mem>>, %arg13: memref<!tpu.dma_semaphore, #tpu.memory_space<semaphore_mem>>, %arg14: memref<!tpu.dma_semaphore, #tpu.memory_space<semaphore_mem>>, %arg15: memref<!tpu.dma_semaphore, #tpu.memory_space<semaphore_mem>>, %arg16: memref<10240xf32, #tpu.memory_space<vmem>>) attributes {dimension_semantics = [#tpu.dimension_semantics<core_parallel>, #tpu.dimension_semantics<subcore_parallel>], iteration_bounds = array<i64: 2, 16>, scalar_prefetch = 0 : i64, scratch_operands = 11 : i64, tpu.core_type = #tpu.core_type<sc_vector_subcore>, window_params = [{transform_indices = #map}, {transform_indices = #map}, {transform_indices = #map1}, {transform_indices = #map}]} {
    %mul3A = arith.constant 2 : i32
    %mul3A_0 = arith.muli %arg1, %mul3A : i32
    %add3A = arith.addi %mul3A_0, %arg0 : i32
    %eq3A = arith.constant 0 : i32
    %eq3A_1 = arith.cmpi eq, %arg0, %eq3A : i32
    %jit3A = arith.constant 124 : i32
    %jit3A_2 = arith.constant 36 : i32
    %select_n3A = arith.select %eq3A_1, %jit3A, %jit3A_2 : i32
    %eq3A_3 = arith.constant 0 : i32
    %eq3A_4 = arith.cmpi eq, %arg0, %eq3A_3 : i32
    %mul3A_5 = arith.constant 124 : i32
    %mul3A_6 = arith.muli %arg1, %mul3A_5 : i32
    %mul3A_7 = arith.constant 36 : i32
    %mul3A_8 = arith.muli %arg1, %mul3A_7 : i32
    %add3A_9 = arith.constant 1984 : i32
    %add3A_10 = arith.addi %add3A_9, %mul3A_8 : i32
    %select_n3A_11 = arith.select %eq3A_4, %mul3A_6, %add3A_10 : i32
    %broadcast_in_dim3A = arith.constant 0.000000e+00 : f32
    %broadcast_in_dim3A_12 = vector.broadcast %broadcast_in_dim3A : f32 to vector<16xf32>
    %scan3A = arith.constant 0 : i32
    %scan3A_13 = arith.constant 0 : i32
    %scan3A_14 = arith.constant 16 : i32
    %scan3A_15 = arith.addi %scan3A_13, %scan3A_14 : i32
    %scan3A_16 = arith.constant 1 : i32
    scf.for %scan3A_80 = %scan3A_13 to %scan3A_15 step %scan3A_16  : i32 {
      %swap3A = arith.index_cast %scan3A_80 : i32 to index
      %swap3A_81 = arith.constant 0 : index
      %swap3A_82 = tpu.vector_load %arg10[%swap3A, %swap3A_81] {strides = array<i32>} : memref<16x128xf32, #tpu.memory_space<vmem>>, vector<16xf32>,
      tpu.vector_store %arg10[%swap3A, %swap3A_81], %broadcast_in_dim3A_12 {strides = array<i32>} : memref<16x128xf32, #tpu.memory_space<vmem>>, vector<16xf32>,
      %swap3A_83 = arith.index_cast %scan3A_80 : i32 to index
      %swap3A_84 = arith.constant 16 : index
      %swap3A_85 = tpu.vector_load %arg10[%swap3A_83, %swap3A_84] {strides = array<i32>} : memref<16x128xf32, #tpu.memory_space<vmem>>, vector<16xf32>,
      tpu.vector_store %arg10[%swap3A_83, %swap3A_84], %broadcast_in_dim3A_12 {strides = array<i32>} : memref<16x128xf32, #tpu.memory_space<vmem>>, vector<16xf32>,
      %swap3A_86 = arith.index_cast %scan3A_80 : i32 to index
      %swap3A_87 = arith.constant 32 : index
      %swap3A_88 = tpu.vector_load %arg10[%swap3A_86, %swap3A_87] {strides = array<i32>} : memref<16x128xf32, #tpu.memory_space<vmem>>, vector<16xf32>,
      tpu.vector_store %arg10[%swap3A_86, %swap3A_87], %broadcast_in_dim3A_12 {strides = array<i32>} : memref<16x128xf32, #tpu.memory_space<vmem>>, vector<16xf32>,
      %swap3A_89 = arith.index_cast %scan3A_80 : i32 to index
      %swap3A_90 = arith.constant 48 : index
      %swap3A_91 = tpu.vector_load %arg10[%swap3A_89, %swap3A_90] {strides = array<i32>} : memref<16x128xf32, #tpu.memory_space<vmem>>, vector<16xf32>,
      tpu.vector_store %arg10[%swap3A_89, %swap3A_90], %broadcast_in_dim3A_12 {strides = array<i32>} : memref<16x128xf32, #tpu.memory_space<vmem>>, vector<16xf32>,
      %swap3A_92 = arith.index_cast %scan3A_80 : i32 to index
      %swap3A_93 = arith.constant 64 : index
      %swap3A_94 = tpu.vector_load %arg10[%swap3A_92, %swap3A_93] {strides = array<i32>} : memref<16x128xf32, #tpu.memory_space<vmem>>, vector<16xf32>,
      tpu.vector_store %arg10[%swap3A_92, %swap3A_93], %broadcast_in_dim3A_12 {strides = array<i32>} : memref<16x128xf32, #tpu.memory_space<vmem>>, vector<16xf32>,
      %swap3A_95 = arith.index_cast %scan3A_80 : i32 to index
      %swap3A_96 = arith.constant 80 : index
      %swap3A_97 = tpu.vector_load %arg10[%swap3A_95, %swap3A_96] {strides = array<i32>} : memref<16x128xf32, #tpu.memory_space<vmem>>, vector<16xf32>,
      tpu.vector_store %arg10[%swap3A_95, %swap3A_96], %broadcast_in_dim3A_12 {strides = array<i32>} : memref<16x128xf32, #tpu.memory_space<vmem>>, vector<16xf32>,
      %swap3A_98 = arith.index_cast %scan3A_80 : i32 to index
      %swap3A_99 = arith.constant 96 : index
      %swap3A_100 = tpu.vector_load %arg10[%swap3A_98, %swap3A_99] {strides = array<i32>} : memref<16x128xf32, #tpu.memory_space<vmem>>, vector<16xf32>,
      tpu.vector_store %arg10[%swap3A_98, %swap3A_99], %broadcast_in_dim3A_12 {strides = array<i32>} : memref<16x128xf32, #tpu.memory_space<vmem>>, vector<16xf32>,
      %swap3A_101 = arith.index_cast %scan3A_80 : i32 to index
      %swap3A_102 = arith.constant 112 : index
      %swap3A_103 = tpu.vector_load %arg10[%swap3A_101, %swap3A_102] {strides = array<i32>} : memref<16x128xf32, #tpu.memory_space<vmem>>, vector<16xf32>,
      tpu.vector_store %arg10[%swap3A_101, %swap3A_102], %broadcast_in_dim3A_12 {strides = array<i32>} : memref<16x128xf32, #tpu.memory_space<vmem>>, vector<16xf32>,
    }
    %scan3A_17 = arith.constant 16 : i32
    %scan3A_18 = arith.constant 0 : i32
    %scan3A_19 = arith.constant 0 : i32
    %scan3A_20 = arith.constant 40 : i32
    %scan3A_21 = arith.addi %scan3A_19, %scan3A_20 : i32
    %scan3A_22 = arith.constant 1 : i32
    scf.for %scan3A_80 = %scan3A_19 to %scan3A_21 step %scan3A_22  : i32 {
      %mul3A_81 = arith.constant 640 : i32
      %mul3A_82 = arith.muli %arg1, %mul3A_81 : i32
      %mul3A_83 = arith.constant 16 : i32
      %mul3A_84 = arith.muli %scan3A_80, %mul3A_83 : i32
      %add3A_85 = arith.addi %mul3A_82, %mul3A_84 : i32
      "tpu.region"() ({
        %run_scoped3A = tpu.sem_alloc : memref<!tpu.dma_semaphore, #tpu.memory_space<semaphore_mem>>
        %dma_start3A_86 = arith.constant 0 : i32
        %dma_start3A_87 = tpu.memref_slice %arg11[%add3A_85, %dma_start3A_86] : memref<10240x128xf32, #tpu.memory_space<vmem_shared>> -> memref<16x128xf32, #tpu.memory_space<vmem_shared>>
        %dma_start3A_88 = arith.constant 0 : i32
        %dma_start3A_89 = tpu.memref_slice %arg11[%add3A_85, %dma_start3A_88] : memref<10240x128xf32, #tpu.memory_space<vmem_shared>> -> memref<16x128xf32, #tpu.memory_space<vmem_shared>>
        tpu.enqueue_dma source(%arg10 : memref<16x128xf32, #tpu.memory_space<vmem>>) target(%dma_start3A_89 : memref<16x128xf32, #tpu.memory_space<vmem_shared>>) target_semaphore(%run_scoped3A : memref<!tpu.dma_semaphore, #tpu.memory_space<semaphore_mem>>)
        %dma_wait3A = arith.constant 0 : i32
        %dma_wait3A_90 = tpu.memref_slice %arg11[%add3A_85, %dma_wait3A] : memref<10240x128xf32, #tpu.memory_space<vmem_shared>> -> memref<16x128xf32, #tpu.memory_space<vmem_shared>>
        %dma_wait3A_91 = arith.constant 0 : i32
        %dma_wait3A_92 = tpu.memref_slice %arg11[%add3A_85, %dma_wait3A_91] : memref<10240x128xf32, #tpu.memory_space<vmem_shared>> -> memref<16x128xf32, #tpu.memory_space<vmem_shared>>
        tpu.wait_dma2 semaphore(%run_scoped3A : memref<!tpu.dma_semaphore, #tpu.memory_space<semaphore_mem>>) src(%arg10 : memref<16x128xf32, #tpu.memory_space<vmem>>) dst(%dma_wait3A_92 : memref<16x128xf32, #tpu.memory_space<vmem_shared>>)
        tpu.yield
      }) : () -> ()
    }
    %scan3A_23 = arith.constant 40 : i32
    %scan3A_24 = arith.constant 0 : i32
    %scan3A_25 = arith.constant 0 : i32
    %scan3A_26 = arith.constant 640 : i32
    %scan3A_27 = arith.addi %scan3A_25, %scan3A_26 : i32
    %scan3A_28 = arith.constant 1 : i32
    scf.for %scan3A_80 = %scan3A_25 to %scan3A_27 step %scan3A_28  : i32 {
      %mul3A_81 = arith.constant 16 : i32
      %mul3A_82 = arith.muli %scan3A_80, %mul3A_81 : i32
      %swap3A = arith.index_cast %mul3A_82 : i32 to index
      %swap3A_83 = tpu.vector_load %arg16[%swap3A] {strides = array<i32>} : memref<10240xf32, #tpu.memory_space<vmem>>, vector<16xf32>,
      tpu.vector_store %arg16[%swap3A], %broadcast_in_dim3A_12 {strides = array<i32>} : memref<10240xf32, #tpu.memory_space<vmem>>, vector<16xf32>,
    }
    %scan3A_29 = arith.constant 640 : i32
    %barrier3A = arith.constant 0 : index
    tpu.barrier barrier_id(%barrier3A)
    %broadcast_in_dim3A_30 = arith.constant 1.000000e+00 : f32
    %broadcast_in_dim3A_31 = vector.broadcast %broadcast_in_dim3A_30 : f32 to vector<16xf32>
    %mul3A_32 = arith.constant 128 : i32
    %mul3A_33 = arith.muli %select_n3A_11, %mul3A_32 : i32
    "tpu.region"() ({
      %run_scoped3A = tpu.sem_alloc : memref<!tpu.dma_semaphore, #tpu.memory_space<semaphore_mem>>
      %dma_start3A_80 = arith.constant 0 : i32
      %dma_start3A_81 = tpu.memref_slice %arg3[%dma_start3A_80, %mul3A_33] : memref<2x327680xi32, #tpu.memory_space<hbm>> -> memref<2x128xi32, #tpu.memory_space<hbm>>
      %dma_start3A_82 = arith.constant 0 : i32
      %dma_start3A_83 = tpu.memref_slice %arg3[%dma_start3A_82, %mul3A_33] : memref<2x327680xi32, #tpu.memory_space<hbm>> -> memref<2x128xi32, #tpu.memory_space<hbm>>
      tpu.enqueue_dma source(%dma_start3A_83 : memref<2x128xi32, #tpu.memory_space<hbm>>) target(%arg6 : memref<2x128xi32, #tpu.memory_space<vmem>>) target_semaphore(%run_scoped3A : memref<!tpu.dma_semaphore, #tpu.memory_space<semaphore_mem>>)
      %dma_wait3A = arith.constant 0 : i32
      %dma_wait3A_84 = tpu.memref_slice %arg3[%dma_wait3A, %mul3A_33] : memref<2x327680xi32, #tpu.memory_space<hbm>> -> memref<2x128xi32, #tpu.memory_space<hbm>>
      %dma_wait3A_85 = arith.constant 0 : i32
      %dma_wait3A_86 = tpu.memref_slice %arg3[%dma_wait3A_85, %mul3A_33] : memref<2x327680xi32, #tpu.memory_space<hbm>> -> memref<2x128xi32, #tpu.memory_space<hbm>>
      tpu.wait_dma2 semaphore(%run_scoped3A : memref<!tpu.dma_semaphore, #tpu.memory_space<semaphore_mem>>) src(%dma_wait3A_86 : memref<2x128xi32, #tpu.memory_space<hbm>>) dst(%arg6 : memref<2x128xi32, #tpu.memory_space<vmem>>)
      tpu.yield
    }) : () -> ()
    %dma_start3A = arith.constant 0 : i32
    %dma_start3A_34 = arith.constant 0 : i32
    %dma_start3A_35 = tpu.memref_slice %arg6[%dma_start3A, %dma_start3A_34] : memref<2x128xi32, #tpu.memory_space<vmem>> -> memref<1x128xi32, #tpu.memory_space<vmem>>
    %dma_start3A_36 = tpu.memref_squeeze %dma_start3A_35 : memref<1x128xi32, #tpu.memory_space<vmem>> -> memref<128xi32, #tpu.memory_space<vmem>>
    %dma_start3A_37 = arith.constant 0 : i32
    %dma_start3A_38 = arith.constant 0 : i32
    %dma_start3A_39 = tpu.memref_slice %arg2[%dma_start3A_37, %dma_start3A_38] : memref<10000x128xf32, #tpu.memory_space<hbm>> -> memref<10000x128xf32, #tpu.memory_space<hbm>>
    tpu.enqueue_indirect_dma source(%dma_start3A_39 : memref<10000x128xf32, #tpu.memory_space<hbm>>) target(%arg8 : memref<128x128xf32, #tpu.memory_space<vmem>>) offsets(%dma_start3A_36 : memref<128xi32, #tpu.memory_space<vmem>>) semaphore(%arg12 : memref<!tpu.dma_semaphore, #tpu.memory_space<semaphore_mem>>)
    %add3A_40 = arith.constant 1 : i32
    %add3A_41 = arith.addi %select_n3A_11, %add3A_40 : i32
    %mul3A_42 = arith.constant 128 : i32
    %mul3A_43 = arith.muli %add3A_41, %mul3A_42 : i32
    %dma_start3A_44 = arith.constant 0 : i32
    %dma_start3A_45 = tpu.memref_slice %arg3[%dma_start3A_44, %mul3A_43] : memref<2x327680xi32, #tpu.memory_space<hbm>> -> memref<2x128xi32, #tpu.memory_space<hbm>>
    %dma_start3A_46 = arith.constant 0 : i32
    %dma_start3A_47 = tpu.memref_slice %arg3[%dma_start3A_46, %mul3A_43] : memref<2x327680xi32, #tpu.memory_space<hbm>> -> memref<2x128xi32, #tpu.memory_space<hbm>>
    tpu.enqueue_dma source(%dma_start3A_47 : memref<2x128xi32, #tpu.memory_space<hbm>>) target(%arg7 : memref<2x128xi32, #tpu.memory_space<vmem>>) target_semaphore(%arg15 : memref<!tpu.dma_semaphore, #tpu.memory_space<semaphore_mem>>)
    %jit3A_48 = arith.constant 2 : i32
    %div3A = arith.divsi %select_n3A, %jit3A_48 : i32
    %sign3A = arith.constant 0 : i32
    %sign3A_49 = arith.cmpi sgt, %select_n3A, %sign3A : i32
    %sign3A_50 = arith.extui %sign3A_49 : i1 to i32
    %sign3A_51 = arith.constant 0 : i32
    %sign3A_52 = arith.cmpi slt, %select_n3A, %sign3A_51 : i32
    %sign3A_53 = arith.extui %sign3A_52 : i1 to i32
    %sign3A_54 = arith.subi %sign3A_50, %sign3A_53 : i32
    %sign3A_55 = arith.constant 0 : i32
    %sign3A_56 = arith.cmpi sgt, %jit3A_48, %sign3A_55 : i32
    %sign3A_57 = arith.extui %sign3A_56 : i1 to i32
    %sign3A_58 = arith.constant 0 : i32
    %sign3A_59 = arith.cmpi slt, %jit3A_48, %sign3A_58 : i32
    %sign3A_60 = arith.extui %sign3A_59 : i1 to i32
    %sign3A_61 = arith.subi %sign3A_57, %sign3A_60 : i32
    %ne3A = arith.cmpi ne, %sign3A_54, %sign3A_61 : i32
    %rem3A = arith.remsi %select_n3A, %jit3A_48 : i32
    %ne3A_62 = arith.constant 0 : i32
    %ne3A_63 = arith.cmpi ne, %rem3A, %ne3A_62 : i32
    %and3A = arith.andi %ne3A, %ne3A_63 : i1
    %sub3A = arith.constant 1 : i32
    %sub3A_64 = arith.subi %div3A, %sub3A : i32
    %select_n3A_65 = arith.select %and3A, %sub3A_64, %div3A : i32
    %while3A = arith.constant 0 : i32
    %while3A_66 = arith.constant 0 : i32
    %while3A_67 = arith.subi %select_n3A_65, %while3A_66 : i32
    %while3A_68 = arith.addi %while3A_66, %while3A_67 : i32
    %while3A_69 = arith.constant 1 : i32
    %while3A_70 = arith.divsi %while3A_67, %while3A_69 : i32
    %while3A_71 = arith.muli %while3A_70, %while3A_69 : i32
    %while3A_72 = arith.addi %while3A_66, %while3A_71 : i32
    %while3A_73 = arith.constant 1 : i32
    scf.for %while3A_80 = %while3A_66 to %while3A_72 step %while3A_73  : i32 {
      %mul3A_81 = arith.constant 2 : i32
      %mul3A_82 = arith.muli %mul3A_81, %while3A_80 : i32
      %add3A_83 = arith.constant 0 : i32
      %add3A_84 = arith.addi %mul3A_82, %add3A_83 : i32
      %add3A_85 = arith.constant 1 : i32
      %add3A_86 = arith.addi %add3A_84, %add3A_85 : i32
      %lt3A = arith.cmpi slt, %add3A_86, %select_n3A : i32
      %convert_element_type3A = arith.extui %lt3A : i1 to i32
      %cond3A = arith.constant 0 : i32
      %cond3A_87 = arith.cmpi ne, %convert_element_type3A, %cond3A : i32
      scf.if %cond3A_87 {
        %add3A_187 = arith.constant 1 : i32
        %add3A_188 = arith.addi %add3A_84, %add3A_187 : i32
        %add3A_189 = arith.addi %select_n3A_11, %add3A_188 : i32
        %mul3A_190 = arith.constant 128 : i32
        %mul3A_191 = arith.muli %add3A_189, %mul3A_190 : i32
        %dma_wait3A_192 = arith.constant 0 : i32
        %dma_wait3A_193 = tpu.memref_slice %arg3[%dma_wait3A_192, %mul3A_191] : memref<2x327680xi32, #tpu.memory_space<hbm>> -> memref<2x128xi32, #tpu.memory_space<hbm>>
        %dma_wait3A_194 = arith.constant 0 : i32
        %dma_wait3A_195 = tpu.memref_slice %arg3[%dma_wait3A_194, %mul3A_191] : memref<2x327680xi32, #tpu.memory_space<hbm>> -> memref<2x128xi32, #tpu.memory_space<hbm>>
        tpu.wait_dma2 semaphore(%arg15 : memref<!tpu.dma_semaphore, #tpu.memory_space<semaphore_mem>>) src(%dma_wait3A_195 : memref<2x128xi32, #tpu.memory_space<hbm>>) dst(%arg7 : memref<2x128xi32, #tpu.memory_space<vmem>>)
        %dma_start3A_196 = arith.constant 0 : i32
        %dma_start3A_197 = arith.constant 0 : i32
        %dma_start3A_198 = tpu.memref_slice %arg7[%dma_start3A_196, %dma_start3A_197] : memref<2x128xi32, #tpu.memory_space<vmem>> -> memref<1x128xi32, #tpu.memory_space<vmem>>
        %dma_start3A_199 = tpu.memref_squeeze %dma_start3A_198 : memref<1x128xi32, #tpu.memory_space<vmem>> -> memref<128xi32, #tpu.memory_space<vmem>>
        %dma_start3A_200 = arith.constant 0 : i32
        %dma_start3A_201 = arith.constant 0 : i32
        %dma_start3A_202 = tpu.memref_slice %arg2[%dma_start3A_200, %dma_start3A_201] : memref<10000x128xf32, #tpu.memory_space<hbm>> -> memref<10000x128xf32, #tpu.memory_space<hbm>>
        tpu.enqueue_indirect_dma source(%dma_start3A_202 : memref<10000x128xf32, #tpu.memory_space<hbm>>) target(%arg9 : memref<128x128xf32, #tpu.memory_space<vmem>>) offsets(%dma_start3A_199 : memref<128xi32, #tpu.memory_space<vmem>>) semaphore(%arg13 : memref<!tpu.dma_semaphore, #tpu.memory_space<semaphore_mem>>)
      } else {
      }
      %dma_wait3A = arith.constant 0 : i32
      %dma_wait3A_88 = arith.constant 0 : i32
      %dma_wait3A_89 = tpu.memref_slice %arg6[%dma_wait3A, %dma_wait3A_88] : memref<2x128xi32, #tpu.memory_space<vmem>> -> memref<1x128xi32, #tpu.memory_space<vmem>>
      %dma_wait3A_90 = tpu.memref_squeeze %dma_wait3A_89 : memref<1x128xi32, #tpu.memory_space<vmem>> -> memref<128xi32, #tpu.memory_space<vmem>>
      %dma_wait3A_91 = arith.constant 0 : i32
      %dma_wait3A_92 = arith.constant 0 : i32
      %dma_wait3A_93 = tpu.memref_slice %arg2[%dma_wait3A_91, %dma_wait3A_92] : memref<10000x128xf32, #tpu.memory_space<hbm>> -> memref<10000x128xf32, #tpu.memory_space<hbm>>
      tpu.wait_indirect_dma semaphore(%arg12 : memref<!tpu.dma_semaphore, #tpu.memory_space<semaphore_mem>>) src(%dma_wait3A_93 : memref<10000x128xf32, #tpu.memory_space<hbm>>) dst(%arg8 : memref<128x128xf32, #tpu.memory_space<vmem>>)
      %run_scoped3A = arith.constant 1 : i32
      "tpu.region"() ({
        %run_scoped3A_187 = tpu.sem_alloc : memref<!tpu.dma_semaphore, #tpu.memory_space<semaphore_mem>>
        %dma_start3A_188 = arith.constant 0 : i32
        %dma_start3A_189 = tpu.memref_slice %arg6[%run_scoped3A, %dma_start3A_188] : memref<2x128xi32, #tpu.memory_space<vmem>> -> memref<1x128xi32, #tpu.memory_space<vmem>>
        %dma_start3A_190 = tpu.memref_squeeze %dma_start3A_189 : memref<1x128xi32, #tpu.memory_space<vmem>> -> memref<128xi32, #tpu.memory_space<vmem>>
        %dma_start3A_191 = arith.constant 0 : i32
        %dma_start3A_192 = arith.constant 0 : i32
        %dma_start3A_193 = tpu.memref_slice %arg11[%dma_start3A_191, %dma_start3A_192] : memref<10240x128xf32, #tpu.memory_space<vmem_shared>> -> memref<10240x128xf32, #tpu.memory_space<vmem_shared>>
        tpu.enqueue_indirect_dma source(%arg8 : memref<128x128xf32, #tpu.memory_space<vmem>>) target(%dma_start3A_193 : memref<10240x128xf32, #tpu.memory_space<vmem_shared>>) offsets(%dma_start3A_190 : memref<128xi32, #tpu.memory_space<vmem>>) semaphore(%run_scoped3A_187 : memref<!tpu.dma_semaphore, #tpu.memory_space<semaphore_mem>>) {add = true}
        %dma_wait3A_194 = arith.constant 0 : i32
        %dma_wait3A_195 = tpu.memref_slice %arg6[%run_scoped3A, %dma_wait3A_194] : memref<2x128xi32, #tpu.memory_space<vmem>> -> memref<1x128xi32, #tpu.memory_space<vmem>>
        %dma_wait3A_196 = tpu.memref_squeeze %dma_wait3A_195 : memref<1x128xi32, #tpu.memory_space<vmem>> -> memref<128xi32, #tpu.memory_space<vmem>>
        %dma_wait3A_197 = arith.constant 0 : i32
        %dma_wait3A_198 = arith.constant 0 : i32
        %dma_wait3A_199 = tpu.memref_slice %arg11[%dma_wait3A_197, %dma_wait3A_198] : memref<10240x128xf32, #tpu.memory_space<vmem_shared>> -> memref<10240x128xf32, #tpu.memory_space<vmem_shared>>
        tpu.wait_indirect_dma semaphore(%run_scoped3A_187 : memref<!tpu.dma_semaphore, #tpu.memory_space<semaphore_mem>>) src(%arg8 : memref<128x128xf32, #tpu.memory_space<vmem>>) dst(%dma_wait3A_199 : memref<10240x128xf32, #tpu.memory_space<vmem_shared>>)
        tpu.yield
      }) : () -> ()
      %get3A = arith.constant 1 : i32
      %get3A_94 = arith.index_cast %get3A : i32 to index
      %get3A_95 = arith.constant 0 : index
      %get3A_96 = tpu.vector_load %arg6[%get3A_94, %get3A_95] {strides = array<i32>} : memref<2x128xi32, #tpu.memory_space<vmem>>, vector<16xi32>,
      tpu.vector_store_idx %arg16[%get3A_96], %broadcast_in_dim3A_31 {add = true} : memref<10240xf32, #tpu.memory_space<vmem>>[vector<16xi32>], vector<16xf32>,
      %get3A_97 = arith.constant 1 : i32
      %get3A_98 = arith.index_cast %get3A_97 : i32 to index
      %get3A_99 = arith.constant 16 : index
      %get3A_100 = tpu.vector_load %arg6[%get3A_98, %get3A_99] {strides = array<i32>} : memref<2x128xi32, #tpu.memory_space<vmem>>, vector<16xi32>,
      tpu.vector_store_idx %arg16[%get3A_100], %broadcast_in_dim3A_31 {add = true} : memref<10240xf32, #tpu.memory_space<vmem>>[vector<16xi32>], vector<16xf32>,
      %get3A_101 = arith.constant 1 : i32
      %get3A_102 = arith.index_cast %get3A_101 : i32 to index
      %get3A_103 = arith.constant 32 : index
      %get3A_104 = tpu.vector_load %arg6[%get3A_102, %get3A_103] {strides = array<i32>} : memref<2x128xi32, #tpu.memory_space<vmem>>, vector<16xi32>,
      tpu.vector_store_idx %arg16[%get3A_104], %broadcast_in_dim3A_31 {add = true} : memref<10240xf32, #tpu.memory_space<vmem>>[vector<16xi32>], vector<16xf32>,
      %get3A_105 = arith.constant 1 : i32
      %get3A_106 = arith.index_cast %get3A_105 : i32 to index
      %get3A_107 = arith.constant 48 : index
      %get3A_108 = tpu.vector_load %arg6[%get3A_106, %get3A_107] {strides = array<i32>} : memref<2x128xi32, #tpu.memory_space<vmem>>, vector<16xi32>,
      tpu.vector_store_idx %arg16[%get3A_108], %broadcast_in_dim3A_31 {add = true} : memref<10240xf32, #tpu.memory_space<vmem>>[vector<16xi32>], vector<16xf32>,
      %get3A_109 = arith.constant 1 : i32
      %get3A_110 = arith.index_cast %get3A_109 : i32 to index
      %get3A_111 = arith.constant 64 : index
      %get3A_112 = tpu.vector_load %arg6[%get3A_110, %get3A_111] {strides = array<i32>} : memref<2x128xi32, #tpu.memory_space<vmem>>, vector<16xi32>,
      tpu.vector_store_idx %arg16[%get3A_112], %broadcast_in_dim3A_31 {add = true} : memref<10240xf32, #tpu.memory_space<vmem>>[vector<16xi32>], vector<16xf32>,
      %get3A_113 = arith.constant 1 : i32
      %get3A_114 = arith.index_cast %get3A_113 : i32 to index
      %get3A_115 = arith.constant 80 : index
      %get3A_116 = tpu.vector_load %arg6[%get3A_114, %get3A_115] {strides = array<i32>} : memref<2x128xi32, #tpu.memory_space<vmem>>, vector<16xi32>,
      tpu.vector_store_idx %arg16[%get3A_116], %broadcast_in_dim3A_31 {add = true} : memref<10240xf32, #tpu.memory_space<vmem>>[vector<16xi32>], vector<16xf32>,
      %get3A_117 = arith.constant 1 : i32
      %get3A_118 = arith.index_cast %get3A_117 : i32 to index
      %get3A_119 = arith.constant 96 : index
      %get3A_120 = tpu.vector_load %arg6[%get3A_118, %get3A_119] {strides = array<i32>} : memref<2x128xi32, #tpu.memory_space<vmem>>, vector<16xi32>,
      tpu.vector_store_idx %arg16[%get3A_120], %broadcast_in_dim3A_31 {add = true} : memref<10240xf32, #tpu.memory_space<vmem>>[vector<16xi32>], vector<16xf32>,
      %get3A_121 = arith.constant 1 : i32
      %get3A_122 = arith.index_cast %get3A_121 : i32 to index
      %get3A_123 = arith.constant 112 : index
      %get3A_124 = tpu.vector_load %arg6[%get3A_122, %get3A_123] {strides = array<i32>} : memref<2x128xi32, #tpu.memory_space<vmem>>, vector<16xi32>,
      tpu.vector_store_idx %arg16[%get3A_124], %broadcast_in_dim3A_31 {add = true} : memref<10240xf32, #tpu.memory_space<vmem>>[vector<16xi32>], vector<16xf32>,
      %add3A_125 = arith.constant 2 : i32
      %add3A_126 = arith.addi %add3A_84, %add3A_125 : i32
      %lt3A_127 = arith.cmpi slt, %add3A_126, %select_n3A : i32
      %convert_element_type3A_128 = arith.extui %lt3A_127 : i1 to i32
      %cond3A_129 = arith.constant 0 : i32
      %cond3A_130 = arith.cmpi ne, %convert_element_type3A_128, %cond3A_129 : i32
      scf.if %cond3A_130 {
        %add3A_187 = arith.constant 2 : i32
        %add3A_188 = arith.addi %add3A_84, %add3A_187 : i32
        %add3A_189 = arith.addi %select_n3A_11, %add3A_188 : i32
        %mul3A_190 = arith.constant 128 : i32
        %mul3A_191 = arith.muli %add3A_189, %mul3A_190 : i32
        %dma_start3A_192 = arith.constant 0 : i32
        %dma_start3A_193 = tpu.memref_slice %arg3[%dma_start3A_192, %mul3A_191] : memref<2x327680xi32, #tpu.memory_space<hbm>> -> memref<2x128xi32, #tpu.memory_space<hbm>>
        %dma_start3A_194 = arith.constant 0 : i32
        %dma_start3A_195 = tpu.memref_slice %arg3[%dma_start3A_194, %mul3A_191] : memref<2x327680xi32, #tpu.memory_space<hbm>> -> memref<2x128xi32, #tpu.memory_space<hbm>>
        tpu.enqueue_dma source(%dma_start3A_195 : memref<2x128xi32, #tpu.memory_space<hbm>>) target(%arg6 : memref<2x128xi32, #tpu.memory_space<vmem>>) target_semaphore(%arg14 : memref<!tpu.dma_semaphore, #tpu.memory_space<semaphore_mem>>)
      } else {
      }
      %mul3A_131 = arith.constant 2 : i32
      %mul3A_132 = arith.muli %mul3A_131, %while3A_80 : i32
      %add3A_133 = arith.constant 1 : i32
      %add3A_134 = arith.addi %mul3A_132, %add3A_133 : i32
      %add3A_135 = arith.constant 1 : i32
      %add3A_136 = arith.addi %add3A_134, %add3A_135 : i32
      %lt3A_137 = arith.cmpi slt, %add3A_136, %select_n3A : i32
      %convert_element_type3A_138 = arith.extui %lt3A_137 : i1 to i32
      %cond3A_139 = arith.constant 0 : i32
      %cond3A_140 = arith.cmpi ne, %convert_element_type3A_138, %cond3A_139 : i32
      scf.if %cond3A_140 {
        %add3A_187 = arith.constant 1 : i32
        %add3A_188 = arith.addi %add3A_134, %add3A_187 : i32
        %add3A_189 = arith.addi %select_n3A_11, %add3A_188 : i32
        %mul3A_190 = arith.constant 128 : i32
        %mul3A_191 = arith.muli %add3A_189, %mul3A_190 : i32
        %dma_wait3A_192 = arith.constant 0 : i32
        %dma_wait3A_193 = tpu.memref_slice %arg3[%dma_wait3A_192, %mul3A_191] : memref<2x327680xi32, #tpu.memory_space<hbm>> -> memref<2x128xi32, #tpu.memory_space<hbm>>
        %dma_wait3A_194 = arith.constant 0 : i32
        %dma_wait3A_195 = tpu.memref_slice %arg3[%dma_wait3A_194, %mul3A_191] : memref<2x327680xi32, #tpu.memory_space<hbm>> -> memref<2x128xi32, #tpu.memory_space<hbm>>
        tpu.wait_dma2 semaphore(%arg14 : memref<!tpu.dma_semaphore, #tpu.memory_space<semaphore_mem>>) src(%dma_wait3A_195 : memref<2x128xi32, #tpu.memory_space<hbm>>) dst(%arg6 : memref<2x128xi32, #tpu.memory_space<vmem>>)
        %dma_start3A_196 = arith.constant 0 : i32
        %dma_start3A_197 = arith.constant 0 : i32
        %dma_start3A_198 = tpu.memref_slice %arg6[%dma_start3A_196, %dma_start3A_197] : memref<2x128xi32, #tpu.memory_space<vmem>> -> memref<1x128xi32, #tpu.memory_space<vmem>>
        %dma_start3A_199 = tpu.memref_squeeze %dma_start3A_198 : memref<1x128xi32, #tpu.memory_space<vmem>> -> memref<128xi32, #tpu.memory_space<vmem>>
        %dma_start3A_200 = arith.constant 0 : i32
        %dma_start3A_201 = arith.constant 0 : i32
        %dma_start3A_202 = tpu.memref_slice %arg2[%dma_start3A_200, %dma_start3A_201] : memref<10000x128xf32, #tpu.memory_space<hbm>> -> memref<10000x128xf32, #tpu.memory_space<hbm>>
        tpu.enqueue_indirect_dma source(%dma_start3A_202 : memref<10000x128xf32, #tpu.memory_space<hbm>>) target(%arg8 : memref<128x128xf32, #tpu.memory_space<vmem>>) offsets(%dma_start3A_199 : memref<128xi32, #tpu.memory_space<vmem>>) semaphore(%arg12 : memref<!tpu.dma_semaphore, #tpu.memory_space<semaphore_mem>>)
      } else {
      }
      %dma_wait3A_141 = arith.constant 0 : i32
      %dma_wait3A_142 = arith.constant 0 : i32
      %dma_wait3A_143 = tpu.memref_slice %arg7[%dma_wait3A_141, %dma_wait3A_142] : memref<2x128xi32, #tpu.memory_space<vmem>> -> memref<1x128xi32, #tpu.memory_space<vmem>>
      %dma_wait3A_144 = tpu.memref_squeeze %dma_wait3A_143 : memref<1x128xi32, #tpu.memory_space<vmem>> -> memref<128xi32, #tpu.memory_space<vmem>>
      %dma_wait3A_145 = arith.constant 0 : i32
      %dma_wait3A_146 = arith.constant 0 : i32
      %dma_wait3A_147 = tpu.memref_slice %arg2[%dma_wait3A_145, %dma_wait3A_146] : memref<10000x128xf32, #tpu.memory_space<hbm>> -> memref<10000x128xf32, #tpu.memory_space<hbm>>
      tpu.wait_indirect_dma semaphore(%arg13 : memref<!tpu.dma_semaphore, #tpu.memory_space<semaphore_mem>>) src(%dma_wait3A_147 : memref<10000x128xf32, #tpu.memory_space<hbm>>) dst(%arg9 : memref<128x128xf32, #tpu.memory_space<vmem>>)
      %run_scoped3A_148 = arith.constant 1 : i32
      "tpu.region"() ({
        %run_scoped3A_187 = tpu.sem_alloc : memref<!tpu.dma_semaphore, #tpu.memory_space<semaphore_mem>>
        %dma_start3A_188 = arith.constant 0 : i32
        %dma_start3A_189 = tpu.memref_slice %arg7[%run_scoped3A_148, %dma_start3A_188] : memref<2x128xi32, #tpu.memory_space<vmem>> -> memref<1x128xi32, #tpu.memory_space<vmem>>
        %dma_start3A_190 = tpu.memref_squeeze %dma_start3A_189 : memref<1x128xi32, #tpu.memory_space<vmem>> -> memref<128xi32, #tpu.memory_space<vmem>>
        %dma_start3A_191 = arith.constant 0 : i32
        %dma_start3A_192 = arith.constant 0 : i32
        %dma_start3A_193 = tpu.memref_slice %arg11[%dma_start3A_191, %dma_start3A_192] : memref<10240x128xf32, #tpu.memory_space<vmem_shared>> -> memref<10240x128xf32, #tpu.memory_space<vmem_shared>>
        tpu.enqueue_indirect_dma source(%arg9 : memref<128x128xf32, #tpu.memory_space<vmem>>) target(%dma_start3A_193 : memref<10240x128xf32, #tpu.memory_space<vmem_shared>>) offsets(%dma_start3A_190 : memref<128xi32, #tpu.memory_space<vmem>>) semaphore(%run_scoped3A_187 : memref<!tpu.dma_semaphore, #tpu.memory_space<semaphore_mem>>) {add = true}
        %dma_wait3A_194 = arith.constant 0 : i32
        %dma_wait3A_195 = tpu.memref_slice %arg7[%run_scoped3A_148, %dma_wait3A_194] : memref<2x128xi32, #tpu.memory_space<vmem>> -> memref<1x128xi32, #tpu.memory_space<vmem>>
        %dma_wait3A_196 = tpu.memref_squeeze %dma_wait3A_195 : memref<1x128xi32, #tpu.memory_space<vmem>> -> memref<128xi32, #tpu.memory_space<vmem>>
        %dma_wait3A_197 = arith.constant 0 : i32
        %dma_wait3A_198 = arith.constant 0 : i32
        %dma_wait3A_199 = tpu.memref_slice %arg11[%dma_wait3A_197, %dma_wait3A_198] : memref<10240x128xf32, #tpu.memory_space<vmem_shared>> -> memref<10240x128xf32, #tpu.memory_space<vmem_shared>>
        tpu.wait_indirect_dma semaphore(%run_scoped3A_187 : memref<!tpu.dma_semaphore, #tpu.memory_space<semaphore_mem>>) src(%arg9 : memref<128x128xf32, #tpu.memory_space<vmem>>) dst(%dma_wait3A_199 : memref<10240x128xf32, #tpu.memory_space<vmem_shared>>)
        tpu.yield
      }) : () -> ()
      %get3A_149 = arith.constant 1 : i32
      %get3A_150 = arith.index_cast %get3A_149 : i32 to index
      %get3A_151 = arith.constant 0 : index
      %get3A_152 = tpu.vector_load %arg7[%get3A_150, %get3A_151] {strides = array<i32>} : memref<2x128xi32, #tpu.memory_space<vmem>>, vector<16xi32>,
      tpu.vector_store_idx %arg16[%get3A_152], %broadcast_in_dim3A_31 {add = true} : memref<10240xf32, #tpu.memory_space<vmem>>[vector<16xi32>], vector<16xf32>,
      %get3A_153 = arith.constant 1 : i32
      %get3A_154 = arith.index_cast %get3A_153 : i32 to index
      %get3A_155 = arith.constant 16 : index
      %get3A_156 = tpu.vector_load %arg7[%get3A_154, %get3A_155] {strides = array<i32>} : memref<2x128xi32, #tpu.memory_space<vmem>>, vector<16xi32>,
      tpu.vector_store_idx %arg16[%get3A_156], %broadcast_in_dim3A_31 {add = true} : memref<10240xf32, #tpu.memory_space<vmem>>[vector<16xi32>], vector<16xf32>,
      %get3A_157 = arith.constant 1 : i32
      %get3A_158 = arith.index_cast %get3A_157 : i32 to index
      %get3A_159 = arith.constant 32 : index
      %get3A_160 = tpu.vector_load %arg7[%get3A_158, %get3A_159] {strides = array<i32>} : memref<2x128xi32, #tpu.memory_space<vmem>>, vector<16xi32>,
      tpu.vector_store_idx %arg16[%get3A_160], %broadcast_in_dim3A_31 {add = true} : memref<10240xf32, #tpu.memory_space<vmem>>[vector<16xi32>], vector<16xf32>,
      %get3A_161 = arith.constant 1 : i32
      %get3A_162 = arith.index_cast %get3A_161 : i32 to index
      %get3A_163 = arith.constant 48 : index
      %get3A_164 = tpu.vector_load %arg7[%get3A_162, %get3A_163] {strides = array<i32>} : memref<2x128xi32, #tpu.memory_space<vmem>>, vector<16xi32>,
      tpu.vector_store_idx %arg16[%get3A_164], %broadcast_in_dim3A_31 {add = true} : memref<10240xf32, #tpu.memory_space<vmem>>[vector<16xi32>], vector<16xf32>,
      %get3A_165 = arith.constant 1 : i32
      %get3A_166 = arith.index_cast %get3A_165 : i32 to index
      %get3A_167 = arith.constant 64 : index
      %get3A_168 = tpu.vector_load %arg7[%get3A_166, %get3A_167] {strides = array<i32>} : memref<2x128xi32, #tpu.memory_space<vmem>>, vector<16xi32>,
      tpu.vector_store_idx %arg16[%get3A_168], %broadcast_in_dim3A_31 {add = true} : memref<10240xf32, #tpu.memory_space<vmem>>[vector<16xi32>], vector<16xf32>,
      %get3A_169 = arith.constant 1 : i32
      %get3A_170 = arith.index_cast %get3A_169 : i32 to index
      %get3A_171 = arith.constant 80 : index
      %get3A_172 = tpu.vector_load %arg7[%get3A_170, %get3A_171] {strides = array<i32>} : memref<2x128xi32, #tpu.memory_space<vmem>>, vector<16xi32>,
      tpu.vector_store_idx %arg16[%get3A_172], %broadcast_in_dim3A_31 {add = true} : memref<10240xf32, #tpu.memory_space<vmem>>[vector<16xi32>], vector<16xf32>,
      %get3A_173 = arith.constant 1 : i32
      %get3A_174 = arith.index_cast %get3A_173 : i32 to index
      %get3A_175 = arith.constant 96 : index
      %get3A_176 = tpu.vector_load %arg7[%get3A_174, %get3A_175] {strides = array<i32>} : memref<2x128xi32, #tpu.memory_space<vmem>>, vector<16xi32>,
      tpu.vector_store_idx %arg16[%get3A_176], %broadcast_in_dim3A_31 {add = true} : memref<10240xf32, #tpu.memory_space<vmem>>[vector<16xi32>], vector<16xf32>,
      %get3A_177 = arith.constant 1 : i32
      %get3A_178 = arith.index_cast %get3A_177 : i32 to index
      %get3A_179 = arith.constant 112 : index
      %get3A_180 = tpu.vector_load %arg7[%get3A_178, %get3A_179] {strides = array<i32>} : memref<2x128xi32, #tpu.memory_space<vmem>>, vector<16xi32>,
      tpu.vector_store_idx %arg16[%get3A_180], %broadcast_in_dim3A_31 {add = true} : memref<10240xf32, #tpu.memory_space<vmem>>[vector<16xi32>], vector<16xf32>,
      %add3A_181 = arith.constant 2 : i32
      %add3A_182 = arith.addi %add3A_134, %add3A_181 : i32
      %lt3A_183 = arith.cmpi slt, %add3A_182, %select_n3A : i32
      %convert_element_type3A_184 = arith.extui %lt3A_183 : i1 to i32
      %cond3A_185 = arith.constant 0 : i32
      %cond3A_186 = arith.cmpi ne, %convert_element_type3A_184, %cond3A_185 : i32
      scf.if %cond3A_186 {
        %add3A_187 = arith.constant 2 : i32
        %add3A_188 = arith.addi %add3A_134, %add3A_187 : i32
        %add3A_189 = arith.addi %select_n3A_11, %add3A_188 : i32
        %mul3A_190 = arith.constant 128 : i32
        %mul3A_191 = arith.muli %add3A_189, %mul3A_190 : i32
        %dma_start3A_192 = arith.constant 0 : i32
        %dma_start3A_193 = tpu.memref_slice %arg3[%dma_start3A_192, %mul3A_191] : memref<2x327680xi32, #tpu.memory_space<hbm>> -> memref<2x128xi32, #tpu.memory_space<hbm>>
        %dma_start3A_194 = arith.constant 0 : i32
        %dma_start3A_195 = tpu.memref_slice %arg3[%dma_start3A_194, %mul3A_191] : memref<2x327680xi32, #tpu.memory_space<hbm>> -> memref<2x128xi32, #tpu.memory_space<hbm>>
        tpu.enqueue_dma source(%dma_start3A_195 : memref<2x128xi32, #tpu.memory_space<hbm>>) target(%arg7 : memref<2x128xi32, #tpu.memory_space<vmem>>) target_semaphore(%arg15 : memref<!tpu.dma_semaphore, #tpu.memory_space<semaphore_mem>>)
      } else {
      }
    }
    %while3A_74 = arith.constant 1 : i32
    scf.for %while3A_80 = %while3A_72 to %while3A_68 step %while3A_74  : i32 {
      %mul3A_81 = arith.constant 2 : i32
      %mul3A_82 = arith.muli %mul3A_81, %while3A_80 : i32
      %add3A_83 = arith.constant 0 : i32
      %add3A_84 = arith.addi %mul3A_82, %add3A_83 : i32
      %add3A_85 = arith.constant 1 : i32
      %add3A_86 = arith.addi %add3A_84, %add3A_85 : i32
      %lt3A = arith.cmpi slt, %add3A_86, %select_n3A : i32
      %convert_element_type3A = arith.extui %lt3A : i1 to i32
      %cond3A = arith.constant 0 : i32
      %cond3A_87 = arith.cmpi ne, %convert_element_type3A, %cond3A : i32
      scf.if %cond3A_87 {
        %add3A_187 = arith.constant 1 : i32
        %add3A_188 = arith.addi %add3A_84, %add3A_187 : i32
        %add3A_189 = arith.addi %select_n3A_11, %add3A_188 : i32
        %mul3A_190 = arith.constant 128 : i32
        %mul3A_191 = arith.muli %add3A_189, %mul3A_190 : i32
        %dma_wait3A_192 = arith.constant 0 : i32
        %dma_wait3A_193 = tpu.memref_slice %arg3[%dma_wait3A_192, %mul3A_191] : memref<2x327680xi32, #tpu.memory_space<hbm>> -> memref<2x128xi32, #tpu.memory_space<hbm>>
        %dma_wait3A_194 = arith.constant 0 : i32
        %dma_wait3A_195 = tpu.memref_slice %arg3[%dma_wait3A_194, %mul3A_191] : memref<2x327680xi32, #tpu.memory_space<hbm>> -> memref<2x128xi32, #tpu.memory_space<hbm>>
        tpu.wait_dma2 semaphore(%arg15 : memref<!tpu.dma_semaphore, #tpu.memory_space<semaphore_mem>>) src(%dma_wait3A_195 : memref<2x128xi32, #tpu.memory_space<hbm>>) dst(%arg7 : memref<2x128xi32, #tpu.memory_space<vmem>>)
        %dma_start3A_196 = arith.constant 0 : i32
        %dma_start3A_197 = arith.constant 0 : i32
        %dma_start3A_198 = tpu.memref_slice %arg7[%dma_start3A_196, %dma_start3A_197] : memref<2x128xi32, #tpu.memory_space<vmem>> -> memref<1x128xi32, #tpu.memory_space<vmem>>
        %dma_start3A_199 = tpu.memref_squeeze %dma_start3A_198 : memref<1x128xi32, #tpu.memory_space<vmem>> -> memref<128xi32, #tpu.memory_space<vmem>>
        %dma_start3A_200 = arith.constant 0 : i32
        %dma_start3A_201 = arith.constant 0 : i32
        %dma_start3A_202 = tpu.memref_slice %arg2[%dma_start3A_200, %dma_start3A_201] : memref<10000x128xf32, #tpu.memory_space<hbm>> -> memref<10000x128xf32, #tpu.memory_space<hbm>>
        tpu.enqueue_indirect_dma source(%dma_start3A_202 : memref<10000x128xf32, #tpu.memory_space<hbm>>) target(%arg9 : memref<128x128xf32, #tpu.memory_space<vmem>>) offsets(%dma_start3A_199 : memref<128xi32, #tpu.memory_space<vmem>>) semaphore(%arg13 : memref<!tpu.dma_semaphore, #tpu.memory_space<semaphore_mem>>)
      } else {
      }
      %dma_wait3A = arith.constant 0 : i32
      %dma_wait3A_88 = arith.constant 0 : i32
      %dma_wait3A_89 = tpu.memref_slice %arg6[%dma_wait3A, %dma_wait3A_88] : memref<2x128xi32, #tpu.memory_space<vmem>> -> memref<1x128xi32, #tpu.memory_space<vmem>>
      %dma_wait3A_90 = tpu.memref_squeeze %dma_wait3A_89 : memref<1x128xi32, #tpu.memory_space<vmem>> -> memref<128xi32, #tpu.memory_space<vmem>>
      %dma_wait3A_91 = arith.constant 0 : i32
      %dma_wait3A_92 = arith.constant 0 : i32
      %dma_wait3A_93 = tpu.memref_slice %arg2[%dma_wait3A_91, %dma_wait3A_92] : memref<10000x128xf32, #tpu.memory_space<hbm>> -> memref<10000x128xf32, #tpu.memory_space<hbm>>
      tpu.wait_indirect_dma semaphore(%arg12 : memref<!tpu.dma_semaphore, #tpu.memory_space<semaphore_mem>>) src(%dma_wait3A_93 : memref<10000x128xf32, #tpu.memory_space<hbm>>) dst(%arg8 : memref<128x128xf32, #tpu.memory_space<vmem>>)
      %run_scoped3A = arith.constant 1 : i32
      "tpu.region"() ({
        %run_scoped3A_187 = tpu.sem_alloc : memref<!tpu.dma_semaphore, #tpu.memory_space<semaphore_mem>>
        %dma_start3A_188 = arith.constant 0 : i32
        %dma_start3A_189 = tpu.memref_slice %arg6[%run_scoped3A, %dma_start3A_188] : memref<2x128xi32, #tpu.memory_space<vmem>> -> memref<1x128xi32, #tpu.memory_space<vmem>>
        %dma_start3A_190 = tpu.memref_squeeze %dma_start3A_189 : memref<1x128xi32, #tpu.memory_space<vmem>> -> memref<128xi32, #tpu.memory_space<vmem>>
        %dma_start3A_191 = arith.constant 0 : i32
        %dma_start3A_192 = arith.constant 0 : i32
        %dma_start3A_193 = tpu.memref_slice %arg11[%dma_start3A_191, %dma_start3A_192] : memref<10240x128xf32, #tpu.memory_space<vmem_shared>> -> memref<10240x128xf32, #tpu.memory_space<vmem_shared>>
        tpu.enqueue_indirect_dma source(%arg8 : memref<128x128xf32, #tpu.memory_space<vmem>>) target(%dma_start3A_193 : memref<10240x128xf32, #tpu.memory_space<vmem_shared>>) offsets(%dma_start3A_190 : memref<128xi32, #tpu.memory_space<vmem>>) semaphore(%run_scoped3A_187 : memref<!tpu.dma_semaphore, #tpu.memory_space<semaphore_mem>>) {add = true}
        %dma_wait3A_194 = arith.constant 0 : i32
        %dma_wait3A_195 = tpu.memref_slice %arg6[%run_scoped3A, %dma_wait3A_194] : memref<2x128xi32, #tpu.memory_space<vmem>> -> memref<1x128xi32, #tpu.memory_space<vmem>>
        %dma_wait3A_196 = tpu.memref_squeeze %dma_wait3A_195 : memref<1x128xi32, #tpu.memory_space<vmem>> -> memref<128xi32, #tpu.memory_space<vmem>>
        %dma_wait3A_197 = arith.constant 0 : i32
        %dma_wait3A_198 = arith.constant 0 : i32
        %dma_wait3A_199 = tpu.memref_slice %arg11[%dma_wait3A_197, %dma_wait3A_198] : memref<10240x128xf32, #tpu.memory_space<vmem_shared>> -> memref<10240x128xf32, #tpu.memory_space<vmem_shared>>
        tpu.wait_indirect_dma semaphore(%run_scoped3A_187 : memref<!tpu.dma_semaphore, #tpu.memory_space<semaphore_mem>>) src(%arg8 : memref<128x128xf32, #tpu.memory_space<vmem>>) dst(%dma_wait3A_199 : memref<10240x128xf32, #tpu.memory_space<vmem_shared>>)
        tpu.yield
      }) : () -> ()
      %get3A = arith.constant 1 : i32
      %get3A_94 = arith.index_cast %get3A : i32 to index
      %get3A_95 = arith.constant 0 : index
      %get3A_96 = tpu.vector_load %arg6[%get3A_94, %get3A_95] {strides = array<i32>} : memref<2x128xi32, #tpu.memory_space<vmem>>, vector<16xi32>,
      tpu.vector_store_idx %arg16[%get3A_96], %broadcast_in_dim3A_31 {add = true} : memref<10240xf32, #tpu.memory_space<vmem>>[vector<16xi32>], vector<16xf32>,
      %get3A_97 = arith.constant 1 : i32
      %get3A_98 = arith.index_cast %get3A_97 : i32 to index
      %get3A_99 = arith.constant 16 : index
      %get3A_100 = tpu.vector_load %arg6[%get3A_98, %get3A_99] {strides = array<i32>} : memref<2x128xi32, #tpu.memory_space<vmem>>, vector<16xi32>,
      tpu.vector_store_idx %arg16[%get3A_100], %broadcast_in_dim3A_31 {add = true} : memref<10240xf32, #tpu.memory_space<vmem>>[vector<16xi32>], vector<16xf32>,
      %get3A_101 = arith.constant 1 : i32
      %get3A_102 = arith.index_cast %get3A_101 : i32 to index
      %get3A_103 = arith.constant 32 : index
      %get3A_104 = tpu.vector_load %arg6[%get3A_102, %get3A_103] {strides = array<i32>} : memref<2x128xi32, #tpu.memory_space<vmem>>, vector<16xi32>,
      tpu.vector_store_idx %arg16[%get3A_104], %broadcast_in_dim3A_31 {add = true} : memref<10240xf32, #tpu.memory_space<vmem>>[vector<16xi32>], vector<16xf32>,
      %get3A_105 = arith.constant 1 : i32
      %get3A_106 = arith.index_cast %get3A_105 : i32 to index
      %get3A_107 = arith.constant 48 : index
      %get3A_108 = tpu.vector_load %arg6[%get3A_106, %get3A_107] {strides = array<i32>} : memref<2x128xi32, #tpu.memory_space<vmem>>, vector<16xi32>,
      tpu.vector_store_idx %arg16[%get3A_108], %broadcast_in_dim3A_31 {add = true} : memref<10240xf32, #tpu.memory_space<vmem>>[vector<16xi32>], vector<16xf32>,
      %get3A_109 = arith.constant 1 : i32
      %get3A_110 = arith.index_cast %get3A_109 : i32 to index
      %get3A_111 = arith.constant 64 : index
      %get3A_112 = tpu.vector_load %arg6[%get3A_110, %get3A_111] {strides = array<i32>} : memref<2x128xi32, #tpu.memory_space<vmem>>, vector<16xi32>,
      tpu.vector_store_idx %arg16[%get3A_112], %broadcast_in_dim3A_31 {add = true} : memref<10240xf32, #tpu.memory_space<vmem>>[vector<16xi32>], vector<16xf32>,
      %get3A_113 = arith.constant 1 : i32
      %get3A_114 = arith.index_cast %get3A_113 : i32 to index
      %get3A_115 = arith.constant 80 : index
      %get3A_116 = tpu.vector_load %arg6[%get3A_114, %get3A_115] {strides = array<i32>} : memref<2x128xi32, #tpu.memory_space<vmem>>, vector<16xi32>,
      tpu.vector_store_idx %arg16[%get3A_116], %broadcast_in_dim3A_31 {add = true} : memref<10240xf32, #tpu.memory_space<vmem>>[vector<16xi32>], vector<16xf32>,
      %get3A_117 = arith.constant 1 : i32
      %get3A_118 = arith.index_cast %get3A_117 : i32 to index
      %get3A_119 = arith.constant 96 : index
      %get3A_120 = tpu.vector_load %arg6[%get3A_118, %get3A_119] {strides = array<i32>} : memref<2x128xi32, #tpu.memory_space<vmem>>, vector<16xi32>,
      tpu.vector_store_idx %arg16[%get3A_120], %broadcast_in_dim3A_31 {add = true} : memref<10240xf32, #tpu.memory_space<vmem>>[vector<16xi32>], vector<16xf32>,
      %get3A_121 = arith.constant 1 : i32
      %get3A_122 = arith.index_cast %get3A_121 : i32 to index
      %get3A_123 = arith.constant 112 : index
      %get3A_124 = tpu.vector_load %arg6[%get3A_122, %get3A_123] {strides = array<i32>} : memref<2x128xi32, #tpu.memory_space<vmem>>, vector<16xi32>,
      tpu.vector_store_idx %arg16[%get3A_124], %broadcast_in_dim3A_31 {add = true} : memref<10240xf32, #tpu.memory_space<vmem>>[vector<16xi32>], vector<16xf32>,
      %add3A_125 = arith.constant 2 : i32
      %add3A_126 = arith.addi %add3A_84, %add3A_125 : i32
      %lt3A_127 = arith.cmpi slt, %add3A_126, %select_n3A : i32
      %convert_element_type3A_128 = arith.extui %lt3A_127 : i1 to i32
      %cond3A_129 = arith.constant 0 : i32
      %cond3A_130 = arith.cmpi ne, %convert_element_type3A_128, %cond3A_129 : i32
      scf.if %cond3A_130 {
        %add3A_187 = arith.constant 2 : i32
        %add3A_188 = arith.addi %add3A_84, %add3A_187 : i32
        %add3A_189 = arith.addi %select_n3A_11, %add3A_188 : i32
        %mul3A_190 = arith.constant 128 : i32
        %mul3A_191 = arith.muli %add3A_189, %mul3A_190 : i32
        %dma_start3A_192 = arith.constant 0 : i32
        %dma_start3A_193 = tpu.memref_slice %arg3[%dma_start3A_192, %mul3A_191] : memref<2x327680xi32, #tpu.memory_space<hbm>> -> memref<2x128xi32, #tpu.memory_space<hbm>>
        %dma_start3A_194 = arith.constant 0 : i32
        %dma_start3A_195 = tpu.memref_slice %arg3[%dma_start3A_194, %mul3A_191] : memref<2x327680xi32, #tpu.memory_space<hbm>> -> memref<2x128xi32, #tpu.memory_space<hbm>>
        tpu.enqueue_dma source(%dma_start3A_195 : memref<2x128xi32, #tpu.memory_space<hbm>>) target(%arg6 : memref<2x128xi32, #tpu.memory_space<vmem>>) target_semaphore(%arg14 : memref<!tpu.dma_semaphore, #tpu.memory_space<semaphore_mem>>)
      } else {
      }
      %mul3A_131 = arith.constant 2 : i32
      %mul3A_132 = arith.muli %mul3A_131, %while3A_80 : i32
      %add3A_133 = arith.constant 1 : i32
      %add3A_134 = arith.addi %mul3A_132, %add3A_133 : i32
      %add3A_135 = arith.constant 1 : i32
      %add3A_136 = arith.addi %add3A_134, %add3A_135 : i32
      %lt3A_137 = arith.cmpi slt, %add3A_136, %select_n3A : i32
      %convert_element_type3A_138 = arith.extui %lt3A_137 : i1 to i32
      %cond3A_139 = arith.constant 0 : i32
      %cond3A_140 = arith.cmpi ne, %convert_element_type3A_138, %cond3A_139 : i32
      scf.if %cond3A_140 {
        %add3A_187 = arith.constant 1 : i32
        %add3A_188 = arith.addi %add3A_134, %add3A_187 : i32
        %add3A_189 = arith.addi %select_n3A_11, %add3A_188 : i32
        %mul3A_190 = arith.constant 128 : i32
        %mul3A_191 = arith.muli %add3A_189, %mul3A_190 : i32
        %dma_wait3A_192 = arith.constant 0 : i32
        %dma_wait3A_193 = tpu.memref_slice %arg3[%dma_wait3A_192, %mul3A_191] : memref<2x327680xi32, #tpu.memory_space<hbm>> -> memref<2x128xi32, #tpu.memory_space<hbm>>
        %dma_wait3A_194 = arith.constant 0 : i32
        %dma_wait3A_195 = tpu.memref_slice %arg3[%dma_wait3A_194, %mul3A_191] : memref<2x327680xi32, #tpu.memory_space<hbm>> -> memref<2x128xi32, #tpu.memory_space<hbm>>
        tpu.wait_dma2 semaphore(%arg14 : memref<!tpu.dma_semaphore, #tpu.memory_space<semaphore_mem>>) src(%dma_wait3A_195 : memref<2x128xi32, #tpu.memory_space<hbm>>) dst(%arg6 : memref<2x128xi32, #tpu.memory_space<vmem>>)
        %dma_start3A_196 = arith.constant 0 : i32
        %dma_start3A_197 = arith.constant 0 : i32
        %dma_start3A_198 = tpu.memref_slice %arg6[%dma_start3A_196, %dma_start3A_197] : memref<2x128xi32, #tpu.memory_space<vmem>> -> memref<1x128xi32, #tpu.memory_space<vmem>>
        %dma_start3A_199 = tpu.memref_squeeze %dma_start3A_198 : memref<1x128xi32, #tpu.memory_space<vmem>> -> memref<128xi32, #tpu.memory_space<vmem>>
        %dma_start3A_200 = arith.constant 0 : i32
        %dma_start3A_201 = arith.constant 0 : i32
        %dma_start3A_202 = tpu.memref_slice %arg2[%dma_start3A_200, %dma_start3A_201] : memref<10000x128xf32, #tpu.memory_space<hbm>> -> memref<10000x128xf32, #tpu.memory_space<hbm>>
        tpu.enqueue_indirect_dma source(%dma_start3A_202 : memref<10000x128xf32, #tpu.memory_space<hbm>>) target(%arg8 : memref<128x128xf32, #tpu.memory_space<vmem>>) offsets(%dma_start3A_199 : memref<128xi32, #tpu.memory_space<vmem>>) semaphore(%arg12 : memref<!tpu.dma_semaphore, #tpu.memory_space<semaphore_mem>>)
      } else {
      }
      %dma_wait3A_141 = arith.constant 0 : i32
      %dma_wait3A_142 = arith.constant 0 : i32
      %dma_wait3A_143 = tpu.memref_slice %arg7[%dma_wait3A_141, %dma_wait3A_142] : memref<2x128xi32, #tpu.memory_space<vmem>> -> memref<1x128xi32, #tpu.memory_space<vmem>>
      %dma_wait3A_144 = tpu.memref_squeeze %dma_wait3A_143 : memref<1x128xi32, #tpu.memory_space<vmem>> -> memref<128xi32, #tpu.memory_space<vmem>>
      %dma_wait3A_145 = arith.constant 0 : i32
      %dma_wait3A_146 = arith.constant 0 : i32
      %dma_wait3A_147 = tpu.memref_slice %arg2[%dma_wait3A_145, %dma_wait3A_146] : memref<10000x128xf32, #tpu.memory_space<hbm>> -> memref<10000x128xf32, #tpu.memory_space<hbm>>
      tpu.wait_indirect_dma semaphore(%arg13 : memref<!tpu.dma_semaphore, #tpu.memory_space<semaphore_mem>>) src(%dma_wait3A_147 : memref<10000x128xf32, #tpu.memory_space<hbm>>) dst(%arg9 : memref<128x128xf32, #tpu.memory_space<vmem>>)
      %run_scoped3A_148 = arith.constant 1 : i32
      "tpu.region"() ({
        %run_scoped3A_187 = tpu.sem_alloc : memref<!tpu.dma_semaphore, #tpu.memory_space<semaphore_mem>>
        %dma_start3A_188 = arith.constant 0 : i32
        %dma_start3A_189 = tpu.memref_slice %arg7[%run_scoped3A_148, %dma_start3A_188] : memref<2x128xi32, #tpu.memory_space<vmem>> -> memref<1x128xi32, #tpu.memory_space<vmem>>
        %dma_start3A_190 = tpu.memref_squeeze %dma_start3A_189 : memref<1x128xi32, #tpu.memory_space<vmem>> -> memref<128xi32, #tpu.memory_space<vmem>>
        %dma_start3A_191 = arith.constant 0 : i32
        %dma_start3A_192 = arith.constant 0 : i32
        %dma_start3A_193 = tpu.memref_slice %arg11[%dma_start3A_191, %dma_start3A_192] : memref<10240x128xf32, #tpu.memory_space<vmem_shared>> -> memref<10240x128xf32, #tpu.memory_space<vmem_shared>>
        tpu.enqueue_indirect_dma source(%arg9 : memref<128x128xf32, #tpu.memory_space<vmem>>) target(%dma_start3A_193 : memref<10240x128xf32, #tpu.memory_space<vmem_shared>>) offsets(%dma_start3A_190 : memref<128xi32, #tpu.memory_space<vmem>>) semaphore(%run_scoped3A_187 : memref<!tpu.dma_semaphore, #tpu.memory_space<semaphore_mem>>) {add = true}
        %dma_wait3A_194 = arith.constant 0 : i32
        %dma_wait3A_195 = tpu.memref_slice %arg7[%run_scoped3A_148, %dma_wait3A_194] : memref<2x128xi32, #tpu.memory_space<vmem>> -> memref<1x128xi32, #tpu.memory_space<vmem>>
        %dma_wait3A_196 = tpu.memref_squeeze %dma_wait3A_195 : memref<1x128xi32, #tpu.memory_space<vmem>> -> memref<128xi32, #tpu.memory_space<vmem>>
        %dma_wait3A_197 = arith.constant 0 : i32
        %dma_wait3A_198 = arith.constant 0 : i32
        %dma_wait3A_199 = tpu.memref_slice %arg11[%dma_wait3A_197, %dma_wait3A_198] : memref<10240x128xf32, #tpu.memory_space<vmem_shared>> -> memref<10240x128xf32, #tpu.memory_space<vmem_shared>>
        tpu.wait_indirect_dma semaphore(%run_scoped3A_187 : memref<!tpu.dma_semaphore, #tpu.memory_space<semaphore_mem>>) src(%arg9 : memref<128x128xf32, #tpu.memory_space<vmem>>) dst(%dma_wait3A_199 : memref<10240x128xf32, #tpu.memory_space<vmem_shared>>)
        tpu.yield
      }) : () -> ()
      %get3A_149 = arith.constant 1 : i32
      %get3A_150 = arith.index_cast %get3A_149 : i32 to index
      %get3A_151 = arith.constant 0 : index
      %get3A_152 = tpu.vector_load %arg7[%get3A_150, %get3A_151] {strides = array<i32>} : memref<2x128xi32, #tpu.memory_space<vmem>>, vector<16xi32>,
      tpu.vector_store_idx %arg16[%get3A_152], %broadcast_in_dim3A_31 {add = true} : memref<10240xf32, #tpu.memory_space<vmem>>[vector<16xi32>], vector<16xf32>,
      %get3A_153 = arith.constant 1 : i32
      %get3A_154 = arith.index_cast %get3A_153 : i32 to index
      %get3A_155 = arith.constant 16 : index
      %get3A_156 = tpu.vector_load %arg7[%get3A_154, %get3A_155] {strides = array<i32>} : memref<2x128xi32, #tpu.memory_space<vmem>>, vector<16xi32>,
      tpu.vector_store_idx %arg16[%get3A_156], %broadcast_in_dim3A_31 {add = true} : memref<10240xf32, #tpu.memory_space<vmem>>[vector<16xi32>], vector<16xf32>,
      %get3A_157 = arith.constant 1 : i32
      %get3A_158 = arith.index_cast %get3A_157 : i32 to index
      %get3A_159 = arith.constant 32 : index
      %get3A_160 = tpu.vector_load %arg7[%get3A_158, %get3A_159] {strides = array<i32>} : memref<2x128xi32, #tpu.memory_space<vmem>>, vector<16xi32>,
      tpu.vector_store_idx %arg16[%get3A_160], %broadcast_in_dim3A_31 {add = true} : memref<10240xf32, #tpu.memory_space<vmem>>[vector<16xi32>], vector<16xf32>,
      %get3A_161 = arith.constant 1 : i32
      %get3A_162 = arith.index_cast %get3A_161 : i32 to index
      %get3A_163 = arith.constant 48 : index
      %get3A_164 = tpu.vector_load %arg7[%get3A_162, %get3A_163] {strides = array<i32>} : memref<2x128xi32, #tpu.memory_space<vmem>>, vector<16xi32>,
      tpu.vector_store_idx %arg16[%get3A_164], %broadcast_in_dim3A_31 {add = true} : memref<10240xf32, #tpu.memory_space<vmem>>[vector<16xi32>], vector<16xf32>,
      %get3A_165 = arith.constant 1 : i32
      %get3A_166 = arith.index_cast %get3A_165 : i32 to index
      %get3A_167 = arith.constant 64 : index
      %get3A_168 = tpu.vector_load %arg7[%get3A_166, %get3A_167] {strides = array<i32>} : memref<2x128xi32, #tpu.memory_space<vmem>>, vector<16xi32>,
      tpu.vector_store_idx %arg16[%get3A_168], %broadcast_in_dim3A_31 {add = true} : memref<10240xf32, #tpu.memory_space<vmem>>[vector<16xi32>], vector<16xf32>,
      %get3A_169 = arith.constant 1 : i32
      %get3A_170 = arith.index_cast %get3A_169 : i32 to index
      %get3A_171 = arith.constant 80 : index
      %get3A_172 = tpu.vector_load %arg7[%get3A_170, %get3A_171] {strides = array<i32>} : memref<2x128xi32, #tpu.memory_space<vmem>>, vector<16xi32>,
      tpu.vector_store_idx %arg16[%get3A_172], %broadcast_in_dim3A_31 {add = true} : memref<10240xf32, #tpu.memory_space<vmem>>[vector<16xi32>], vector<16xf32>,
      %get3A_173 = arith.constant 1 : i32
      %get3A_174 = arith.index_cast %get3A_173 : i32 to index
      %get3A_175 = arith.constant 96 : index
      %get3A_176 = tpu.vector_load %arg7[%get3A_174, %get3A_175] {strides = array<i32>} : memref<2x128xi32, #tpu.memory_space<vmem>>, vector<16xi32>,
      tpu.vector_store_idx %arg16[%get3A_176], %broadcast_in_dim3A_31 {add = true} : memref<10240xf32, #tpu.memory_space<vmem>>[vector<16xi32>], vector<16xf32>,
      %get3A_177 = arith.constant 1 : i32
      %get3A_178 = arith.index_cast %get3A_177 : i32 to index
      %get3A_179 = arith.constant 112 : index
      %get3A_180 = tpu.vector_load %arg7[%get3A_178, %get3A_179] {strides = array<i32>} : memref<2x128xi32, #tpu.memory_space<vmem>>, vector<16xi32>,
      tpu.vector_store_idx %arg16[%get3A_180], %broadcast_in_dim3A_31 {add = true} : memref<10240xf32, #tpu.memory_space<vmem>>[vector<16xi32>], vector<16xf32>,
      %add3A_181 = arith.constant 2 : i32
      %add3A_182 = arith.addi %add3A_134, %add3A_181 : i32
      %lt3A_183 = arith.cmpi slt, %add3A_182, %select_n3A : i32
      %convert_element_type3A_184 = arith.extui %lt3A_183 : i1 to i32
      %cond3A_185 = arith.constant 0 : i32
      %cond3A_186 = arith.cmpi ne, %convert_element_type3A_184, %cond3A_185 : i32
      scf.if %cond3A_186 {
        %add3A_187 = arith.constant 2 : i32
        %add3A_188 = arith.addi %add3A_134, %add3A_187 : i32
        %add3A_189 = arith.addi %select_n3A_11, %add3A_188 : i32
        %mul3A_190 = arith.constant 128 : i32
        %mul3A_191 = arith.muli %add3A_189, %mul3A_190 : i32
        %dma_start3A_192 = arith.constant 0 : i32
        %dma_start3A_193 = tpu.memref_slice %arg3[%dma_start3A_192, %mul3A_191] : memref<2x327680xi32, #tpu.memory_space<hbm>> -> memref<2x128xi32, #tpu.memory_space<hbm>>
        %dma_start3A_194 = arith.constant 0 : i32
        %dma_start3A_195 = tpu.memref_slice %arg3[%dma_start3A_194, %mul3A_191] : memref<2x327680xi32, #tpu.memory_space<hbm>> -> memref<2x128xi32, #tpu.memory_space<hbm>>
        tpu.enqueue_dma source(%dma_start3A_195 : memref<2x128xi32, #tpu.memory_space<hbm>>) target(%arg7 : memref<2x128xi32, #tpu.memory_space<vmem>>) target_semaphore(%arg15 : memref<!tpu.dma_semaphore, #tpu.memory_space<semaphore_mem>>)
      } else {
      }
    }
    "tpu.region"() ({
      %run_scoped3A = tpu.sem_alloc : memref<!tpu.dma_semaphore, #tpu.memory_space<semaphore_mem>>
      %dma_start3A_80 = arith.constant 0 : i32
      %dma_start3A_81 = tpu.memref_slice %arg5[%add3A, %dma_start3A_80] : memref<32x10240xf32, #tpu.memory_space<hbm>> -> memref<1x10240xf32, #tpu.memory_space<hbm>>
      %dma_start3A_82 = tpu.memref_squeeze %dma_start3A_81 : memref<1x10240xf32, #tpu.memory_space<hbm>> -> memref<10240xf32, #tpu.memory_space<hbm>>
      %dma_start3A_83 = arith.constant 0 : i32
      %dma_start3A_84 = tpu.memref_slice %arg5[%add3A, %dma_start3A_83] : memref<32x10240xf32, #tpu.memory_space<hbm>> -> memref<1x10240xf32, #tpu.memory_space<hbm>>
      %dma_start3A_85 = tpu.memref_squeeze %dma_start3A_84 : memref<1x10240xf32, #tpu.memory_space<hbm>> -> memref<10240xf32, #tpu.memory_space<hbm>>
      tpu.enqueue_dma source(%arg16 : memref<10240xf32, #tpu.memory_space<vmem>>) target(%dma_start3A_85 : memref<10240xf32, #tpu.memory_space<hbm>>) target_semaphore(%run_scoped3A : memref<!tpu.dma_semaphore, #tpu.memory_space<semaphore_mem>>)
      %dma_wait3A = arith.constant 0 : i32
      %dma_wait3A_86 = tpu.memref_slice %arg5[%add3A, %dma_wait3A] : memref<32x10240xf32, #tpu.memory_space<hbm>> -> memref<1x10240xf32, #tpu.memory_space<hbm>>
      %dma_wait3A_87 = tpu.memref_squeeze %dma_wait3A_86 : memref<1x10240xf32, #tpu.memory_space<hbm>> -> memref<10240xf32, #tpu.memory_space<hbm>>
      %dma_wait3A_88 = arith.constant 0 : i32
      %dma_wait3A_89 = tpu.memref_slice %arg5[%add3A, %dma_wait3A_88] : memref<32x10240xf32, #tpu.memory_space<hbm>> -> memref<1x10240xf32, #tpu.memory_space<hbm>>
      %dma_wait3A_90 = tpu.memref_squeeze %dma_wait3A_89 : memref<1x10240xf32, #tpu.memory_space<hbm>> -> memref<10240xf32, #tpu.memory_space<hbm>>
      tpu.wait_dma2 semaphore(%run_scoped3A : memref<!tpu.dma_semaphore, #tpu.memory_space<semaphore_mem>>) src(%arg16 : memref<10240xf32, #tpu.memory_space<vmem>>) dst(%dma_wait3A_90 : memref<10240xf32, #tpu.memory_space<hbm>>)
      tpu.yield
    }) : () -> ()
    %barrier3A_75 = arith.constant 0 : index
    tpu.barrier barrier_id(%barrier3A_75)
    %mul3A_76 = arith.constant 640 : i32
    %mul3A_77 = arith.muli %arg1, %mul3A_76 : i32
    %mul3A_78 = arith.constant 640 : i32
    %mul3A_79 = arith.muli %arg1, %mul3A_78 : i32
    "tpu.region"() ({
      %run_scoped3A = tpu.sem_alloc : memref<!tpu.dma_semaphore, #tpu.memory_space<semaphore_mem>>
      %dma_start3A_80 = arith.constant 0 : i32
      %dma_start3A_81 = tpu.memref_slice %arg4[%arg0, %mul3A_79, %dma_start3A_80] : memref<2x10240x128xf32, #tpu.memory_space<hbm>> -> memref<1x640x128xf32, #tpu.memory_space<hbm>>
      %dma_start3A_82 = tpu.memref_squeeze %dma_start3A_81 : memref<1x640x128xf32, #tpu.memory_space<hbm>> -> memref<640x128xf32, #tpu.memory_space<hbm>>
      %dma_start3A_83 = arith.constant 0 : i32
      %dma_start3A_84 = tpu.memref_slice %arg11[%mul3A_77, %dma_start3A_83] : memref<10240x128xf32, #tpu.memory_space<vmem_shared>> -> memref<640x128xf32, #tpu.memory_space<vmem_shared>>
      tpu.enqueue_dma source(%dma_start3A_84 : memref<640x128xf32, #tpu.memory_space<vmem_shared>>) target(%dma_start3A_82 : memref<640x128xf32, #tpu.memory_space<hbm>>) target_semaphore(%run_scoped3A : memref<!tpu.dma_semaphore, #tpu.memory_space<semaphore_mem>>)
      %dma_wait3A = arith.constant 0 : i32
      %dma_wait3A_85 = tpu.memref_slice %arg4[%arg0, %mul3A_79, %dma_wait3A] : memref<2x10240x128xf32, #tpu.memory_space<hbm>> -> memref<1x640x128xf32, #tpu.memory_space<hbm>>
      %dma_wait3A_86 = tpu.memref_squeeze %dma_wait3A_85 : memref<1x640x128xf32, #tpu.memory_space<hbm>> -> memref<640x128xf32, #tpu.memory_space<hbm>>
      %dma_wait3A_87 = arith.constant 0 : i32
      %dma_wait3A_88 = tpu.memref_slice %arg11[%mul3A_77, %dma_wait3A_87] : memref<10240x128xf32, #tpu.memory_space<vmem_shared>> -> memref<640x128xf32, #tpu.memory_space<vmem_shared>>
      tpu.wait_dma2 semaphore(%run_scoped3A : memref<!tpu.dma_semaphore, #tpu.memory_space<semaphore_mem>>) src(%dma_wait3A_88 : memref<640x128xf32, #tpu.memory_space<vmem_shared>>) dst(%dma_wait3A_86 : memref<640x128xf32, #tpu.memory_space<hbm>>)
      tpu.yield
    }) : () -> ()
    return
  }
}

module attributes {stable_mosaic.version = 14 : i64} {
  func.func @_combine1_body(%arg0: i32, %arg1: memref<2x400x128xf32, #tpu.memory_space<vmem>>, %arg2: memref<32x400x1xf32, #tpu.memory_space<vmem>>, %arg3: memref<400x128xf32, #tpu.memory_space<vmem>>, %arg4: memref<128x64xf32, #tpu.memory_space<vmem>>, %arg5: memref<128x64xf32, #tpu.memory_space<vmem>>, %arg6: memref<1x64xf32, #tpu.memory_space<vmem>>, %arg7: memref<64x128xf32, #tpu.memory_space<vmem>>, %arg8: memref<400x64xf32, #tpu.memory_space<vmem>>, %arg9: memref<400x128xf32, #tpu.memory_space<vmem>>) attributes {dimension_semantics = [#tpu.dimension_semantics<arbitrary>], iteration_bounds = array<i64: 25>, scalar_prefetch = 0 : i64, scratch_operands = 0 : i64, tpu.core_type = #tpu.core_type<tc>, window_params = [{transform_indices = @transform_0, window_bounds = array<i64: 2, 400, 128>}, {transform_indices = @transform_1, window_bounds = array<i64: 32, 400, 1>}, {transform_indices = @transform_2, window_bounds = array<i64: 400, 128>}, {pipeline_mode = #tpu.pipeline_mode<synchronous>, transform_indices = @transform_3, window_bounds = array<i64: 128, 64>}, {pipeline_mode = #tpu.pipeline_mode<synchronous>, transform_indices = @transform_4, window_bounds = array<i64: 128, 64>}, {pipeline_mode = #tpu.pipeline_mode<synchronous>, transform_indices = @transform_5, window_bounds = array<i64: 1, 64>}, {pipeline_mode = #tpu.pipeline_mode<synchronous>, transform_indices = @transform_6, window_bounds = array<i64: 64, 128>}, {transform_indices = @transform_7, window_bounds = array<i64: 400, 64>}, {transform_indices = @transform_8, window_bounds = array<i64: 400, 128>}]} {
    %get3A = arith.constant 0 : index
    %get3A_0 = arith.constant 0 : index
    %get3A_1 = arith.constant 0 : index
    %get3A_2 = vector.load %arg1[%get3A, %get3A_0, %get3A_1] : memref<2x400x128xf32, #tpu.memory_space<vmem>>, vector<1x400x128xf32>
    %get3A_3 = vector.shape_cast %get3A_2 : vector<1x400x128xf32> to vector<400x128xf32>
    %get3A_4 = arith.constant 1 : index
    %get3A_5 = arith.constant 0 : index
    %get3A_6 = arith.constant 0 : index
    %get3A_7 = vector.load %arg1[%get3A_4, %get3A_5, %get3A_6] : memref<2x400x128xf32, #tpu.memory_space<vmem>>, vector<1x400x128xf32>
    %get3A_8 = vector.shape_cast %get3A_7 : vector<1x400x128xf32> to vector<400x128xf32>
    %add3A = arith.addf %get3A_3, %get3A_8 : vector<400x128xf32>
    %get3A_9 = arith.constant 0 : index
    %get3A_10 = arith.constant 0 : index
    %get3A_11 = arith.constant 0 : index
    %get3A_12 = vector.load %arg2[%get3A_9, %get3A_10, %get3A_11] : memref<32x400x1xf32, #tpu.memory_space<vmem>>, vector<32x400x1xf32>
    %reduce_sum3A = arith.constant dense<0.000000e+00> : vector<400x1xf32>
    %reduce_sum3A_13 = vector.multi_reduction <add>, %get3A_12, %reduce_sum3A [0] : vector<32x400x1xf32> to vector<400x1xf32>
    %max3A = arith.constant 1.000000e+00 : f32
    %max3A_14 = vector.broadcast %max3A : f32 to vector<400x1xf32>
    %max3A_15 = arith.maximumf %reduce_sum3A_13, %max3A_14 : vector<400x1xf32>
    %get3A_16 = arith.constant 0 : index
    %get3A_17 = arith.constant 0 : index
    %get3A_18 = vector.load %arg4[%get3A_16, %get3A_17] : memref<128x64xf32, #tpu.memory_space<vmem>>, vector<128x64xf32>
    %dot_general3A = arith.constant dense<0.000000e+00> : vector<400x64xf32>
    %dot_general3A_19 = tpu.matmul %add3A, %get3A_18, %dot_general3A {dimension_numbers = #tpu.dot_dimension_numbers<[1], [0], [0], [1], [0, 0, 1, 1], [], []>, transpose_lhs_hint = false} : vector<400x128xf32>, vector<128x64xf32>, vector<400x64xf32> -> vector<400x64xf32>
    %div3A = vector.broadcast %max3A_15 : vector<400x1xf32> to vector<400x64xf32>
    %div3A_20 = arith.divf %dot_general3A_19, %div3A : vector<400x64xf32>
    %get3A_21 = arith.constant 0 : index
    %get3A_22 = arith.constant 0 : index
    %get3A_23 = vector.load %arg6[%get3A_21, %get3A_22] : memref<1x64xf32, #tpu.memory_space<vmem>>, vector<1x64xf32>
    %add3A_24 = vector.broadcast %get3A_23 : vector<1x64xf32> to vector<400x64xf32>
    %add3A_25 = arith.addf %div3A_20, %add3A_24 : vector<400x64xf32>
    %get3A_26 = arith.constant 0 : index
    %get3A_27 = arith.constant 0 : index
    %get3A_28 = vector.load %arg3[%get3A_26, %get3A_27] : memref<400x128xf32, #tpu.memory_space<vmem>>, vector<400x128xf32>
    %get3A_29 = arith.constant 0 : index
    %get3A_30 = arith.constant 0 : index
    %get3A_31 = vector.load %arg5[%get3A_29, %get3A_30] : memref<128x64xf32, #tpu.memory_space<vmem>>, vector<128x64xf32>
    %dot_general3A_32 = arith.constant dense<0.000000e+00> : vector<400x64xf32>
    %dot_general3A_33 = tpu.matmul %get3A_28, %get3A_31, %dot_general3A_32 {dimension_numbers = #tpu.dot_dimension_numbers<[1], [0], [0], [1], [0, 0, 1, 1], [], []>, transpose_lhs_hint = false} : vector<400x128xf32>, vector<128x64xf32>, vector<400x64xf32> -> vector<400x64xf32>
    %add3A_34 = arith.addf %add3A_25, %dot_general3A_33 : vector<400x64xf32>
    %max3A_35 = arith.constant 0.000000e+00 : f32
    %max3A_36 = vector.broadcast %max3A_35 : f32 to vector<400x64xf32>
    %max3A_37 = arith.maximumf %add3A_34, %max3A_36 : vector<400x64xf32>
    %swap3A = arith.constant 0 : index
    %swap3A_38 = arith.constant 0 : index
    %swap3A_39 = vector.load %arg8[%swap3A, %swap3A_38] : memref<400x64xf32, #tpu.memory_space<vmem>>, vector<400x64xf32>
    tpu.vector_store %arg8[%swap3A, %swap3A_38], %max3A_37 {strides = array<i32>} : memref<400x64xf32, #tpu.memory_space<vmem>>, vector<400x64xf32>,
    %get3A_40 = arith.constant 0 : index
    %get3A_41 = arith.constant 0 : index
    %get3A_42 = vector.load %arg7[%get3A_40, %get3A_41] : memref<64x128xf32, #tpu.memory_space<vmem>>, vector<64x128xf32>
    %dot_general3A_43 = arith.constant dense<0.000000e+00> : vector<400x128xf32>
    %dot_general3A_44 = tpu.matmul %max3A_37, %get3A_42, %dot_general3A_43 {dimension_numbers = #tpu.dot_dimension_numbers<[1], [0], [0], [1], [0, 0, 1, 1], [], []>, transpose_lhs_hint = false} : vector<400x64xf32>, vector<64x128xf32>, vector<400x128xf32> -> vector<400x128xf32>
    %swap3A_45 = arith.constant 0 : index
    %swap3A_46 = arith.constant 0 : index
    %swap3A_47 = vector.load %arg9[%swap3A_45, %swap3A_46] : memref<400x128xf32, #tpu.memory_space<vmem>>, vector<400x128xf32>
    tpu.vector_store %arg9[%swap3A_45, %swap3A_46], %dot_general3A_44 {strides = array<i32>} : memref<400x128xf32, #tpu.memory_space<vmem>>, vector<400x128xf32>,
    return
  }
  func.func @transform_0(%arg0: i32) -> (i32, i32, i32) {
    %c0_i32 = arith.constant 0 : i32
    %c0_i32_0 = arith.constant 0 : i32
    %c0_i32_1 = arith.constant 0 : i32
    return %c0_i32, %arg0, %c0_i32_0 : i32, i32, i32
  }
  func.func @transform_1(%arg0: i32) -> (i32, i32, i32) {
    %c0_i32 = arith.constant 0 : i32
    %c0_i32_0 = arith.constant 0 : i32
    %c0_i32_1 = arith.constant 0 : i32
    return %c0_i32, %arg0, %c0_i32_0 : i32, i32, i32
  }
  func.func @transform_2(%arg0: i32) -> (i32, i32) {
    %c0_i32 = arith.constant 0 : i32
    %c0_i32_0 = arith.constant 0 : i32
    return %arg0, %c0_i32 : i32, i32
  }
  func.func @transform_3(%arg0: i32) -> (i32, i32) {
    %c0_i32 = arith.constant 0 : i32
    %c0_i32_0 = arith.constant 0 : i32
    %c0_i32_1 = arith.constant 0 : i32
    return %c0_i32, %c0_i32_0 : i32, i32
  }
  func.func @transform_4(%arg0: i32) -> (i32, i32) {
    %c0_i32 = arith.constant 0 : i32
    %c0_i32_0 = arith.constant 0 : i32
    %c0_i32_1 = arith.constant 0 : i32
    return %c0_i32, %c0_i32_0 : i32, i32
  }
  func.func @transform_5(%arg0: i32) -> (i32, i32) {
    %c0_i32 = arith.constant 0 : i32
    %c0_i32_0 = arith.constant 0 : i32
    %c0_i32_1 = arith.constant 0 : i32
    return %c0_i32, %c0_i32_0 : i32, i32
  }
  func.func @transform_6(%arg0: i32) -> (i32, i32) {
    %c0_i32 = arith.constant 0 : i32
    %c0_i32_0 = arith.constant 0 : i32
    %c0_i32_1 = arith.constant 0 : i32
    return %c0_i32, %c0_i32_0 : i32, i32
  }
  func.func @transform_7(%arg0: i32) -> (i32, i32) {
    %c0_i32 = arith.constant 0 : i32
    %c0_i32_0 = arith.constant 0 : i32
    return %arg0, %c0_i32 : i32, i32
  }
  func.func @transform_8(%arg0: i32) -> (i32, i32) {
    %c0_i32 = arith.constant 0 : i32
    %c0_i32_0 = arith.constant 0 : i32
    return %arg0, %c0_i32 : i32, i32
  }
}

module attributes {stable_mosaic.version = 14 : i64} {
  func.func @_combine2_body(%arg0: i32, %arg1: memref<2x400x128xf32, #tpu.memory_space<vmem>>, %arg2: memref<32x400x1xf32, #tpu.memory_space<vmem>>, %arg3: memref<400x64xf32, #tpu.memory_space<vmem>>, %arg4: memref<64x128xf32, #tpu.memory_space<vmem>>, %arg5: memref<1x128xf32, #tpu.memory_space<vmem>>, %arg6: memref<400x128xf32, #tpu.memory_space<vmem>>) attributes {dimension_semantics = [#tpu.dimension_semantics<arbitrary>], iteration_bounds = array<i64: 25>, scalar_prefetch = 0 : i64, scratch_operands = 0 : i64, tpu.core_type = #tpu.core_type<tc>, window_params = [{transform_indices = @transform_0, window_bounds = array<i64: 2, 400, 128>}, {transform_indices = @transform_1, window_bounds = array<i64: 32, 400, 1>}, {transform_indices = @transform_2, window_bounds = array<i64: 400, 64>}, {pipeline_mode = #tpu.pipeline_mode<synchronous>, transform_indices = @transform_3, window_bounds = array<i64: 64, 128>}, {pipeline_mode = #tpu.pipeline_mode<synchronous>, transform_indices = @transform_4, window_bounds = array<i64: 1, 128>}, {transform_indices = @transform_5, window_bounds = array<i64: 400, 128>}]} {
    %get3A = arith.constant 0 : index
    %get3A_0 = arith.constant 0 : index
    %get3A_1 = arith.constant 0 : index
    %get3A_2 = vector.load %arg1[%get3A, %get3A_0, %get3A_1] : memref<2x400x128xf32, #tpu.memory_space<vmem>>, vector<1x400x128xf32>
    %get3A_3 = vector.shape_cast %get3A_2 : vector<1x400x128xf32> to vector<400x128xf32>
    %get3A_4 = arith.constant 1 : index
    %get3A_5 = arith.constant 0 : index
    %get3A_6 = arith.constant 0 : index
    %get3A_7 = vector.load %arg1[%get3A_4, %get3A_5, %get3A_6] : memref<2x400x128xf32, #tpu.memory_space<vmem>>, vector<1x400x128xf32>
    %get3A_8 = vector.shape_cast %get3A_7 : vector<1x400x128xf32> to vector<400x128xf32>
    %add3A = arith.addf %get3A_3, %get3A_8 : vector<400x128xf32>
    %get3A_9 = arith.constant 0 : index
    %get3A_10 = arith.constant 0 : index
    %get3A_11 = arith.constant 0 : index
    %get3A_12 = vector.load %arg2[%get3A_9, %get3A_10, %get3A_11] : memref<32x400x1xf32, #tpu.memory_space<vmem>>, vector<32x400x1xf32>
    %reduce_sum3A = arith.constant dense<0.000000e+00> : vector<400x1xf32>
    %reduce_sum3A_13 = vector.multi_reduction <add>, %get3A_12, %reduce_sum3A [0] : vector<32x400x1xf32> to vector<400x1xf32>
    %max3A = arith.constant 1.000000e+00 : f32
    %max3A_14 = vector.broadcast %max3A : f32 to vector<400x1xf32>
    %max3A_15 = arith.maximumf %reduce_sum3A_13, %max3A_14 : vector<400x1xf32>
    %div3A = vector.broadcast %max3A_15 : vector<400x1xf32> to vector<400x128xf32>
    %div3A_16 = arith.divf %add3A, %div3A : vector<400x128xf32>
    %get3A_17 = arith.constant 0 : index
    %get3A_18 = arith.constant 0 : index
    %get3A_19 = vector.load %arg5[%get3A_17, %get3A_18] : memref<1x128xf32, #tpu.memory_space<vmem>>, vector<1x128xf32>
    %add3A_20 = vector.broadcast %get3A_19 : vector<1x128xf32> to vector<400x128xf32>
    %add3A_21 = arith.addf %div3A_16, %add3A_20 : vector<400x128xf32>
    %get3A_22 = arith.constant 0 : index
    %get3A_23 = arith.constant 0 : index
    %get3A_24 = vector.load %arg3[%get3A_22, %get3A_23] : memref<400x64xf32, #tpu.memory_space<vmem>>, vector<400x64xf32>
    %get3A_25 = arith.constant 0 : index
    %get3A_26 = arith.constant 0 : index
    %get3A_27 = vector.load %arg4[%get3A_25, %get3A_26] : memref<64x128xf32, #tpu.memory_space<vmem>>, vector<64x128xf32>
    %dot_general3A = arith.constant dense<0.000000e+00> : vector<400x128xf32>
    %dot_general3A_28 = tpu.matmul %get3A_24, %get3A_27, %dot_general3A {dimension_numbers = #tpu.dot_dimension_numbers<[1], [0], [0], [1], [0, 0, 1, 1], [], []>, transpose_lhs_hint = false} : vector<400x64xf32>, vector<64x128xf32>, vector<400x128xf32> -> vector<400x128xf32>
    %add3A_29 = arith.addf %add3A_21, %dot_general3A_28 : vector<400x128xf32>
    %swap3A = arith.constant 0 : index
    %swap3A_30 = arith.constant 0 : index
    %swap3A_31 = vector.load %arg6[%swap3A, %swap3A_30] : memref<400x128xf32, #tpu.memory_space<vmem>>, vector<400x128xf32>
    tpu.vector_store %arg6[%swap3A, %swap3A_30], %add3A_29 {strides = array<i32>} : memref<400x128xf32, #tpu.memory_space<vmem>>, vector<400x128xf32>,
    return
  }
  func.func @transform_0(%arg0: i32) -> (i32, i32, i32) {
    %c0_i32 = arith.constant 0 : i32
    %c0_i32_0 = arith.constant 0 : i32
    %c0_i32_1 = arith.constant 0 : i32
    return %c0_i32, %arg0, %c0_i32_0 : i32, i32, i32
  }
  func.func @transform_1(%arg0: i32) -> (i32, i32, i32) {
    %c0_i32 = arith.constant 0 : i32
    %c0_i32_0 = arith.constant 0 : i32
    %c0_i32_1 = arith.constant 0 : i32
    return %c0_i32, %arg0, %c0_i32_0 : i32, i32, i32
  }
  func.func @transform_2(%arg0: i32) -> (i32, i32) {
    %c0_i32 = arith.constant 0 : i32
    %c0_i32_0 = arith.constant 0 : i32
    return %arg0, %c0_i32 : i32, i32
  }
  func.func @transform_3(%arg0: i32) -> (i32, i32) {
    %c0_i32 = arith.constant 0 : i32
    %c0_i32_0 = arith.constant 0 : i32
    %c0_i32_1 = arith.constant 0 : i32
    return %c0_i32, %c0_i32_0 : i32, i32
  }
  func.func @transform_4(%arg0: i32) -> (i32, i32) {
    %c0_i32 = arith.constant 0 : i32
    %c0_i32_0 = arith.constant 0 : i32
    %c0_i32_1 = arith.constant 0 : i32
    return %c0_i32, %c0_i32_0 : i32, i32
  }
  func.func @transform_5(%arg0: i32) -> (i32, i32) {
    %c0_i32 = arith.constant 0 : i32
    %c0_i32_0 = arith.constant 0 : i32
    return %arg0, %c0_i32 : i32, i32
  }
}

</mosaic_0001>

<sc_bundles>
// kernel: kernel.6.cloned.1.call-start
scs
__scs_entry_jumppad:
0x0: {  	(pc) =	sbr.rel $0x88, $3  }
0x1: {  	(tag) =	ssettag $0x0;
	lr =	simm.s32 $0x1  }
0x2: {  	[smem:$0x3F99] =	sst lr;
	_ =	strace $0xD0000000  }
0x3: {  	_ = 	snop  }
0x4: {  	_ = 	snop  }
0x5: {  	_ = 	snop  }
0x6: {  	_ = 	snop  }
0x7: {  	_ = 	snop  }
__scs_overlays_trampoline_lowered:
0x8: {  	[smem:$0x3FA8] =	sst s0  }
0x9: {  	[smem:$0x3FA9] =	sst s1  }
0xa: {  	[smem:$0x3FAA] =	sst s2  }
0xb: {  	[smem:$0x3FAB] =	sst s3  }
0xc: {  	[smem:$0x3FAC] =	sst s4  }
0xd: {  	[smem:$0x3FAD] =	sst s5  }
0xe: {  	[smem:$0x3FAE] =	sst s6  }
0xf: {  	[smem:$0x3FAF] =	sst s7  }
0x10: {  	[smem:$0x3FB0] =	sst s8  }
0x11: {  	[smem:$0x3FB1] =	sst s9;
	s0 =	simm.s32 @!p0 $0x0  }
0x12: {  	s1 =	sld [smem:$0x3F97];
	s0 =	simm.s32 @p0 $0x1  }
0x13: {  	[smem:$0x3FB2] =	sst s0;
	s0 =	simm.s32 @!p1 $0x0  }
0x14: {  	s2 =	sld [smem:$0x3F96];
	s0 =	simm.s32 @p1 $0x1  }
0x15: {  	[smem:$0x3FB3] =	sst s0;
	s0 =	simm.s32 @!p2 $0x0  }
0x16: {  	s3 =	sld [smem:$0x3FDB];
	s0 =	simm.s32 @p2 $0x1  }
0x17: {  	s4 =	simm.s32 $0x1BF5;
	[smem:$0x3FB5] =	sst s0  }
0x18: {  	s0 =	sld [smem:$0x3F98];
	_ =	swait.ge [sflag:s4], $0x0  }
0x19: {  	s7 =	sld [smem:$0x3F99]  }
0x1a: {  	s8 =	sadd.s32 $0xFFFFE003, lr  }
0x1b: {  	s9 =	sadd.s32 $0xFFFFFEF7, lr;
	s5 =	simm.s32 $0xFFFFFFFF;
	p2 =	slt.u32 s8, $0xFFFFF086  }
0x1c: {  	p1 =	slt.u32 s9, $0xF7A;
	s5 =	simm.s32 @!p2 $0x0  }
0x1d: {  	s5 =	simm.s32 @p1 $0x1;
	p0 =	seq.s32 s7, s2  }
0x1e: {  	s7 =	smul.u32 @!p0 $0xF7A, s2;
	p2 =	seq.s32 @!p0 s5, $0x0  }
0x1f: {  	s9 =	smul.u32 $0xF7A, s1;
	s8 =	simm.s32 @!p0 $0x1BF5;
	p2 =	por !p2, p0  }
0x20: {  	[sflag:s8] =	ssyncset.s32 @!p0 $0xFFFFF086;
	s6 =	sadd.s32 @!p0 s3, s7;
	s7 =	simm.s32 @!p0 $0x108  }
0x21: {  	s3 =	sadd.s32 s3, s9;
	s6 =	sadd.s32 @!p0 $0x88, s6;
	s7 =	simm.s32 @p2 $0x1082  }
0x22: {  	[simem:s7], [sflag:s8] =	dma.local @!p0 [hbm:s6], $0xF7A  }
0x23: {  	s9 =	sor.u32 $0xD0000000, s2;
	s6 =	simm.s32 $0x108;
	_ =	swait.ge @!p0 [sflag:s8], $0x0  }
0x24: {  	s3 =	sadd.s32 $0x88, s3;
	s6 =	simm.s32 @!p1 $0x1082;
	[sflag:s4] =	ssyncset.s32 $0xFFFFF086  }
0x25: {  	[simem:s6], [sflag:s4] =	dma.local [hbm:s3], $0xF7A  }
0x26: {  	[smem:$0x3F99] =	sst s1;
	(tag) =	ssettag s2;
	_ =	strace s9  }
0x27: {  	s1 =	sld [smem:$0x3FA9]  }
0x28: {  	s2 =	sld [smem:$0x3FAA]  }
0x29: {  	s4 =	sld [smem:$0x3FAC]  }
0x2a: {  	p0 =	seq.s32 s5, $0x0;
	s5 =	sld [smem:$0x3FAD]  }
0x2b: {  	s6 =	sld [smem:$0x3FAE]  }
0x2c: {  	s7 =	sld [smem:$0x3FAF]  }
0x2d: {  	s3 =	simm.s32 $0x108;
	s8 =	sld [smem:$0x3FB0]  }
0x2e: {  	s3 =	simm.s32 @!p0 $0x1082;
	s9 =	sld [smem:$0x3FB1]  }
0x2f: {  	lr =	sadd.s32 s0, s3;
	s0 =	sld [smem:$0x3FA8]  }
0x30: {  	s3 =	sld [smem:$0x3FAB]  }
0x31: {  	[smem:$0x3FB4] =	sst s10  }
0x32: {  	s10 =	sld [smem:$0x3FB2];
	_ =	sdelay $0x3  }
0x33: {  	p0 =	seq.s32 s10, $0x1;
	s10 =	sld [smem:$0x3FB4];
	_ =	sdelay $0x3  }
0x34: {  	[smem:$0x3FB4] =	sst s10  }
0x35: {  	s10 =	sld [smem:$0x3FB3];
	_ =	sdelay $0x3  }
0x36: {  	p1 =	seq.s32 s10, $0x1;
	s10 =	sld [smem:$0x3FB4];
	_ =	sdelay $0x3  }
0x37: {  	[smem:$0x3FB4] =	sst s10  }
0x38: {  	s10 =	sld [smem:$0x3FB5]  }
0x39: {  	_ = 	snop;
	(pc) =	sbr.ind lr, $3  }
0x3a: {  	_ = 	snop  }
0x3b: {  	_ = 	snop  }
0x3c: {  	p2 =	seq.s32 s10, $0x1;
	s10 =	sld [smem:$0x3FB4]  }
0x3d: {  	_ =	shalt  }
0x3e: {  	_ =	shalt  }
0x3f: {  	_ =	shalt  }
0x40: {  	_ =	shalt  }
0x41: {  	_ =	shalt  }
0x42: {  	_ =	shalt  }
0x43: {  	_ =	shalt  }
0x44: {  	_ =	shalt  }
0x45: {  	_ =	shalt  }
0x46: {  	_ =	shalt  }
0x47: {  	_ =	shalt  }
0x48: {  	_ =	shalt  }
0x49: {  	_ =	shalt  }
0x4a: {  	_ =	shalt  }
0x4b: {  	_ =	shalt  }
0x4c: {  	_ =	shalt  }
0x4d: {  	_ =	shalt  }
0x4e: {  	_ =	shalt  }
0x4f: {  	_ =	shalt  }
0x50: {  	_ =	shalt  }
0x51: {  	_ =	shalt  }
0x52: {  	_ =	shalt  }
0x53: {  	_ =	shalt  }
0x54: {  	_ =	shalt  }
0x55: {  	_ =	shalt  }
0x56: {  	_ =	shalt  }
0x57: {  	_ =	shalt  }
0x58: {  	_ =	shalt  }
0x59: {  	_ =	shalt  }
0x5a: {  	_ =	shalt  }
0x5b: {  	_ =	shalt  }
0x5c: {  	_ =	shalt  }
0x5d: {  	_ =	shalt  }
0x5e: {  	_ =	shalt  }
0x5f: {  	_ =	shalt  }
0x60: {  	_ =	shalt  }
0x61: {  	_ =	shalt  }
0x62: {  	_ =	shalt  }
0x63: {  	_ =	shalt  }
0x64: {  	_ =	shalt  }
0x65: {  	_ =	shalt  }
0x66: {  	_ =	shalt  }
0x67: {  	_ =	shalt  }
0x68: {  	_ =	shalt  }
0x69: {  	_ =	shalt  }
0x6a: {  	_ =	shalt  }
0x6b: {  	_ =	shalt  }
0x6c: {  	_ =	shalt  }
0x6d: {  	_ =	shalt  }
0x6e: {  	_ =	shalt  }
0x6f: {  	_ =	shalt  }
0x70: {  	_ =	shalt  }
0x71: {  	_ =	shalt  }
0x72: {  	_ =	shalt  }
0x73: {  	_ =	shalt  }
0x74: {  	_ =	shalt  }
0x75: {  	_ =	shalt  }
0x76: {  	_ =	shalt  }
0x77: {  	_ =	shalt  }
0x78: {  	_ =	shalt  }
0x79: {  	_ =	shalt  }
0x7a: {  	_ =	shalt  }
0x7b: {  	_ =	shalt  }
0x7c: {  	_ =	shalt  }
0x7d: {  	_ =	shalt  }
0x7e: {  	_ =	shalt  }
0x7f: {  	_ =	shalt  }
0x80: {  	_ =	shalt  }
0x81: {  	_ =	shalt  }
0x82: {  	_ =	shalt  }
0x83: {  	_ =	shalt  }
0x84: {  	_ =	shalt  }
0x85: {  	_ =	shalt  }
0x86: {  	_ =	shalt  }
0x87: {  	_ =	shalt  }
.Lfunc_end0:
.L_simem_size_0:
called_computation_lowered:
.L_overlay_start_0:
0x88: {  	s2 =	sld [smem:$0x3FD9]  }
0x89: {  	s3 =	sld [smem:$0x3FFE];
	_ =	sdelay $0x1  }
0x8a: {  	s1 =	srdreg.scid  }
0x8b: {  	s0 =	sand.u32 $0x1, s1  }
0x8c: {  	s17 =	sshll.u32 s0, $0xA;
	s2 =	sadd.s32 s3, s2  }
0x8d: {  	s2 =	sadd.s32 s2, s17  }
0x8e: {  	[smem:$0x3FC0] =	sst s2  }
0x8f: {  	_ = 	snop  }
0x90: {  	s2 =	sld [smem:$0x3FC9]  }
0x91: {  	s18 =	sld [smem:$0x3FD0];
	(tm) =	ssettm $0x1  }
0x92: {  	s4 =	sld [smem:$0x3FFB];
	_ =	sdelay $0x3  }
0x93: {  	_ =	strace s4  }
0x94: {  	s4 =	sld [smem:$0x3FFC];
	_ =	sdelay $0x3  }
0x95: {  	_ =	strace s4  }
0x96: {  	s4 =	sld [smem:$0x3FFD];
	_ =	sdelay $0x3  }
0x97: {  	_ =	strace s4  }
0x98: {  	_ =	strace $0x8FFFFFFF  }
0x99: {  	s19 =	sld [smem:$0x3FDB];
	_ =	sdelay $0x1  }
0x9a: {  	s5 =	simm.s32 $_scs_section_size  }
0x9b: {  	s6 =	simm.s32 $_size__tile_overlayer_lowered;
	s7 =	simm.s32 $_tile_overlayer_lowered  }
0x9c: {  	s22 =	simm.s32 $0x1BFF;
	s21 =	sshll.u32 s7, $0x1;
	s4 =	sadd.s32 s5, s19  }
0x9d: {  	s8 =	simm.s32 $0x0;
	s20 =	sshll.u32 s6, $0x1;
	s6 =	sadd.s32 s21, s4  }
0x9e: {  	[timem:s8], [sflag:s22] =	dma.local [hbm:s6], s20  }
0x9f: {  	_ =	swait.ge [sflag:s22], s20  }
0xa0: {  	s5 =	ssub.s32 $0x0, s20;
	[sflag:s22] =	ssyncset.done $0x0  }
0xa1: {  	[sflag:s22] =	ssyncadd.s32 s5;
	_ =	sdelay $0x1  }
0xa2: {  	s23 =	simm.s32 $0x1B8B  }
0xa3: {  	_ =	swait.ge [sflag:s23], $0x1  }
0xa4: {  	[sflag:s23] =	ssyncset.done $0x0  }
0xa5: {  	s25 =	simm.s32 $0x1B8E;
	s24 =	sld [smem:$0x3FFE];
	[sflag:s23] =	ssyncadd.s32 $0xFFFFFFFF  }
0xa6: {  	s26 =	simm.s32 $execute0_lowered;
	[smem:$0x3FD2] =	sst s25  }
0xa7: {  	s6 =	sshll.u32 s26, $0x1;
	_ =	strace $0x80000046;
	[dreg:$0x1] =	wrdreg $0xFFFFFFFF  }
0xa8: {  	s28 =	simm.s32 $_size_execute0_lowered;
	s4 =	sadd.s32 s4, s6;
	[dreg:$0x0] =	wrdreg $0x0  }
0xa9: {  	s6 =	sshll.u32 s28, $0x1;
	[dreg:$0x2] =	wrdreg s4  }
0xaa: {  	[dreg:$0x3] =	wrdreg s6  }
0xab: {  	[dreg:$0x4] =	wrdreg $0xC0  }
0xac: {  	_ =	task [dreg:s8], $0x5FFFF  }
0xad: {  	[dreg:$0x1] =	wrdreg $0xFFFFFFFF  }
0xae: {  	[dreg:$0x0] =	wrdreg $0x60  }
0xaf: {  	[dreg:$0x2] =	wrdreg s2  }
0xb0: {  	[dreg:$0x3] =	wrdreg s24  }
0xb1: {  	[dreg:$0x4] =	wrdreg s18  }
0xb2: {  	[dreg:$0x5] =	wrdreg $0x8A000  }
0xb3: {  	[dreg:$0x6] =	wrdreg $0x9  }
0xb4: {  	_ =	task.clear_ibuf [dreg:s8], $0x7FFFF;
	_ =	strace $0x90000046  }
0xb5: {  	s29 =	simm.s32 $0x9;
	_ =	strace $0x80000048  }
0xb6: {  	_ =	swait.ge [sflag:s29], $0x1  }
0xb7: {  	[sflag:s29] =	ssyncadd.s32 $0xFFFFFFFF  }
0xb8: {  	_ =	strace $0x90000048  }
0xb9: {  	_ =	sfence  }
0xba: {  	s30 =	sld [smem:$0x0];
	_ =	sdelay $0x2  }
0xbb: {  	s31 =	sshll.u32 s1, $0xD;
	s1 =	sshrl.u32 s1, $0x2  }
0xbc: {  	s3 =	sand.u32 $0x4000, s31;
	s1 =	sadd.s32 s1, s30  }
0xbd: {  	s0 =	sor.u32 s3, s0;
	s1 =	sshll.u32 s1, $0x11  }
0xbe: {  	s0 =	sor.u32 s1, s0  }
0xbf: {  	s0 =	sadd.s32 $0x8F2B, s0  }
0xc0: {  	[sflag:s0] =	ssyncadd.remote.s32 $0x1  }
0xc1: {  	_ =	sfence.sel $0xFFFF  }
0xc2: {  	[dreg:$0x0] =	wrdreg $0xFFFFFFFF;
	(pc) =	sbr.abs _section_cstart, $3  }
0xc3: {  	[dreg:$0x1] =	wrdreg $0xFFFFFFFF  }
0xc4: {  	_ =	task.clear_ibuf [dreg:s8], $0x2FFFF;
	_ =	strace $0x9FFFFFFF  }
0xc5: {  	(tm) =	ssettm $0x7FFFFFFF  }
tec
execute0_lowered:
.L_overlay_start_1:
0x0: {  	(tag) =	ssettag $0x1  }
0x1: {  	s1 =	rddreg [dreg:$0x0]  }
0x2: {  	s5 =	rddreg [dreg:$0x1]  }
0x3: {  	s11 =	rddreg [dreg:$0x2]  }
0x4: {  	s3 =	rddreg [dreg:$0x3];
	s0 =	stileid.u32;
	s4 =	simm.s32 $0x0  }
0x5: {  	s6 =	srdreg.scid;
	s16 =	simm.s32 $0x5;
	s17 =	simm.s32 $0x80  }
0x6: {  	s18 =	simm.s32 $0x200;
	s19 =	simm.s32 $0x100;
	s7 =	smul.u32 $0x24, s0  }
0x7: {  	s20 =	simm.s32 $0x1;
	s21 =	simm.s32 $0x1CA00;
	s8 =	smul.u32 $0x7C, s0  }
0x8: {  	[smem:$0x7FF] =	sst s4;
	s6 =	sand.u32 $0x1, s6;
	s22 =	smul.u32 $0x14000, s0  }
0x9: {  	s10 =	smul.u32 $0x50000, s0;
	s28 =	sshrl.u32 s0, $0x2;
	s29 =	sshll.u32 s0, $0x8  }
0xa: {  	p0 =	seq.s32 s6, $0x0;
	s9 =	smul.u32 $0x140000, s6;
	_ =	strace $0x80000047  }
0xb: {  	s24 =	ssub.s32 $0x2, s6;
	s30 =	smul.u32 $0x14000, s28;
	s31 =	sshll.u32 s6, $0x7  }
0xc: {  	s7 =	sadd.s32 $0x7C0, s7;
	s25 =	sshrl.u32 s24, $0x1;
	s26 =	sshrl.u32 s10, $0x2  }
0xd: {  	s7 =	smov.u32 @p0 s8;
	s23 =	sadd.s32 s22, s9;
	s13 =	ssub.s32 s24, s25  }
0xe: {  	s9 =	sand.u32 $0x300, s29;
	s6 =	sadd.s32 s26, s3;
	s22 =	simm.s32 $0x2  }
0xf: {  	s24 =	simm.s32 $0x4200;
	s25 =	simm.s32 $0x400;
	s7 =	sshll.u32 s7, $0x5  }
0x10: {  	s9 =	sor.u32 s31, s9;
	s13 =	smax.u32 s13, $0x1;
	s14 =	sadd.s32 s7, s5  }
0x11: {  	s7 =	sshrl.u32 s23, $0x3;
	s15 =	sor.u32 s30, s9;
	s23 =	simm.s32 $0x180  }
0x12: {  	s12 =	sadd.s32 s7, s5;
	s5 =	simm.s32 $0x7C;
	s7 =	sadd.s32 $0x2600, s14  }
0x13: {  	s8 =	sadd.s32 $0x2620, s14;
	s15 =	sshrl.u32 s15, $0x3;
	s14 =	sadd.s32 $0x2640, s14  }
0x14: {  	s5 =	simm.s32 @!p0 $0x24;
	s11 =	sadd.s32 s11, s15;
	s12 =	sadd.s32 $0x16600, s12  }
0x15: {  	v0 =	vimm.f32 $0.0e+00;
	v1 =	vimm.f32 $1.000000000e+00;
	s15 =	simm.s32 $0x8200;
	s9 =	sshrl.u32 s5, $0x1;
	s10 =	sadd.s32 $0xFFFFFFFF, s5  }
.LBB2_1:
0x16: {  	s26 =	simm.s32 $0x0;
	s28 =	simm.s32 $0x200  }
.LBB2_2:
0x17: {  	p0 =	sne.s32 s28, $0x1E00;
	[tilespmem:s26+$0x8270] =	vst v0  }
0x18: {  	[tilespmem:s26+$0x8200] =	vst v0  }
0x19: {  	[tilespmem:s26+$0x8210] =	vst v0  }
.Ltmp0:
0x1a: {  	[tilespmem:s26+$0x8220] =	vst v0;
	(pc) =	sbr.rel @p0 .LBB2_2-.Ltmp0, $4  }
0x1b: {  	[tilespmem:s26+$0x8230] =	vst v0  }
0x1c: {  	[tilespmem:s26+$0x8240] =	vst v0  }
0x1d: {  	[tilespmem:s26+$0x8250] =	vst v0  }
0x1e: {  	[tilespmem:s26+$0x8260] =	vst v0;
	s26 =	sshra.s32 s28, $0x2;
	s28 =	sadd.s32 $0x200, s28  }
0x1f: {  	[tilespmem:s26+$0x8270] =	vst v0  }
0x20: {  	[tilespmem:s26+$0x8200] =	vst v0  }
0x21: {  	[tilespmem:s26+$0x8210] =	vst v0  }
0x22: {  	[tilespmem:s26+$0x8220] =	vst v0  }
0x23: {  	[tilespmem:s26+$0x8230] =	vst v0  }
0x24: {  	[tilespmem:s26+$0x8240] =	vst v0  }
0x25: {  	[tilespmem:s26+$0x8250] =	vst v0  }
0x26: {  	[tilespmem:s26+$0x8260] =	vst v0;
	s31 =	sadd.s32 $0x0, s6  }
0x27: {  	[spmem:s31] =	stream.linear.scatter [tilespmem:s15], [sflag:$0x5], $0x800, $0x38;
	[tilespmem:$0x1F200] =	vst v63  }
0x28: {  	s26 =	simm.s32 $0x2000;
	_ =	swait.ge [sflag:s16], $0x800  }
.LBB2_4:
0x29: {  	s28 =	sshra.s32 s26, $0x2;
	[sflag:s16] =	ssyncset.done $0x0;
	p0 =	sne.s32 s26, $0x4E000  }
.Ltmp1:
0x2a: {  	s28 =	sadd.s32 s28, s6;
	[sflag:s16] =	ssyncadd.s32 $0xFFFFF800;
	(pc) =	sbr.rel @p0 .LBB2_4-.Ltmp1, $3  }
0x2b: {  	[spmem:s28] =	stream.linear.scatter [tilespmem:s15], [sflag:$0x5], $0x800, $0x38;
	[tilespmem:$0x1F200] =	vst v63  }
0x2c: {  	s26 =	sadd.s32 $0x2000, s26;
	_ =	sdelay $0x1  }
0x2d: {  	_ =	swait.ge [sflag:s16], $0x800  }
0x2e: {  	[sflag:s16] =	ssyncset.done $0x0  }
0x2f: {  	s26 =	simm.s32 $0x40;
	s28 =	simm.s32 $0x0;
	[sflag:s16] =	ssyncadd.s32 $0xFFFFF800  }
.LBB2_6:
0x30: {  	p0 =	sne.s32 s26, $0x9FC0;
	[tilespmem:s28+$0x1CA00] =	vst v0;
	s28 =	smov.u32 s26;
	s26 =	sadd.s32 $0x40, s26  }
.Ltmp2:
0x31: {  	(pc) =	sbr.rel @p0 .LBB2_6-.Ltmp2, $2  }
0x32: {  	_ =	sdelay $0x2  }
0x33: {  	s28 =	sshra.s32 s28, $0x2  }
0x34: {  	[tilespmem:s28+$0x1CA00] =	vst v0  }
0x35: {  	s29 =	simm.s32 $0x0;
	[bflag:$0x0] =	sbarrier.arrive $0xFFFF  }
0x36: {  	[tilespmem:s29], [sflag:$0x5] =	stream.linear.gather [hbm4b:s7+s29], $0x100, $0x38;
	[tilespmem:$0x1F200] =	vst v63  }
0x37: {  	_ =	swait.ge [sflag:s16], $0x100  }
0x38: {  	[sflag:s16] =	ssyncset.done $0x0  }
0x39: {  	[sflag:s16] =	ssyncadd.s32 $0xFFFFFF00  }
0x3a: {  	[tilespmem:s18], [sflag:$0x1] =	stream.indirect.gather [hbm4b:s1+s17], $0x80, s29, s17, $0xb8;
	[tilespmem:$0x1F200] =	vst v63  }
0x3b: {  	s26 =	smov.u32 s14;
	s28 =	smov.u32 s9  }
0x3c: {  	[tilespmem:s19], [sflag:$0x4] =	stream.linear.gather [hbm4b:s8+s29], $0x100, $0x38;
	[tilespmem:$0x1F200] =	vst v63  }
.LBB2_8:
0x3d: {  	p0 =	sge.u32 s29, s10  }
0x3e: {  	s30 =	simm.s32 @!p0 $0x4  }
0x3f: {  	_ =	swait.ge @!p0 [sflag:s30], $0x100  }
0x40: {  	s31 =	simm.s32 @!p0 $0x100;
	[sflag:s30] =	ssyncset.done @!p0 $0x0  }
0x41: {  	s0 =	simm.s32 @!p0 $0x4200;
	[sflag:s30] =	ssyncadd.s32 @!p0 $0xFFFFFF00;
	s30 =	simm.s32 @!p0 $0x80  }
0x42: {  	[tilespmem:s0], [sflag:$0x2] =	stream.indirect.gather @!p0 [hbm4b:s1+s30], $0x80, s31, s30, $0xb8;
	[tilespmem:$0x1F200] =	vst v63  }
0x43: {  	_ =	swait.ge [sflag:s20], $0x4000  }
0x44: {  	[sflag:s20] =	ssyncset.done $0x0  }
0x45: {  	[sflag:s20] =	ssyncadd.s32 $0xFFFFC000  }
0x46: {  	[spmem:s3] =	stream.indirect.scatter.add.f32 [tilespmem:s18], [sflag:$0x5], $0x80, s17, s17, $0xb8;
	[tilespmem:$0x1F200] =	vst v63  }
0x47: {  	_ =	swait.ge [sflag:s16], $0x4000  }
0x48: {  	[sflag:s16] =	ssyncset.done $0x0  }
0x49: {  	[sflag:s16] =	ssyncadd.s32 $0xFFFFC000  }
0x4a: {  	v2 =	vld [tilespmem:$0x80];
	_ =	sdelay $0x7  }
0x4b: {  	[tilespmem:v2+s21+$0x0] =	vst.idx.add.f32.msk $0xffff, v1  }
0x4c: {  	v2 =	vld [tilespmem:$0x90];
	_ =	sdelay $0x7  }
0x4d: {  	[tilespmem:v2+s21+$0x0] =	vst.idx.add.f32.msk $0xffff, v1  }
0x4e: {  	v2 =	vld [tilespmem:$0xA0];
	_ =	sdelay $0x7  }
0x4f: {  	[tilespmem:v2+s21+$0x0] =	vst.idx.add.f32.msk $0xffff, v1  }
0x50: {  	v2 =	vld [tilespmem:$0xB0];
	_ =	sdelay $0x7  }
0x51: {  	[tilespmem:v2+s21+$0x0] =	vst.idx.add.f32.msk $0xffff, v1  }
0x52: {  	v2 =	vld [tilespmem:$0xC0];
	_ =	sdelay $0x7  }
0x53: {  	[tilespmem:v2+s21+$0x0] =	vst.idx.add.f32.msk $0xffff, v1  }
0x54: {  	v2 =	vld [tilespmem:$0xD0];
	_ =	sdelay $0x7  }
0x55: {  	[tilespmem:v2+s21+$0x0] =	vst.idx.add.f32.msk $0xffff, v1  }
0x56: {  	v2 =	vld [tilespmem:$0xE0];
	_ =	sdelay $0x7  }
0x57: {  	[tilespmem:v2+s21+$0x0] =	vst.idx.add.f32.msk $0xffff, v1  }
0x58: {  	v2 =	vld [tilespmem:$0xF0];
	_ =	sdelay $0x5  }
0x59: {  	s0 =	sadd.s32 $0x2, s29  }
0x5a: {  	p0 =	sge.u32 s0, s5  }
0x5b: {  	s30 =	simm.s32 @!p0 $0x0;
	s31 =	simm.s32 @!p0 $0x3;
	[tilespmem:v2+s21+$0x0] =	vst.idx.add.f32.msk $0xffff, v1  }
0x5c: {  	[tilespmem:s30], [sflag:$0x3] =	stream.linear.gather @!p0 [hbm4b:s26+s30], $0x100, $0x38;
	[tilespmem:$0x1F200] =	vst v63  }
0x5d: {  	_ =	swait.ge @!p0 [sflag:s31], $0x100  }
0x5e: {  	[sflag:s31] =	ssyncset.done @!p0 $0x0  }
0x5f: {  	s2 =	simm.s32 @!p0 $0x200;
	[sflag:s31] =	ssyncadd.s32 @!p0 $0xFFFFFF00;
	s31 =	simm.s32 @!p0 $0x80  }
0x60: {  	[tilespmem:s2], [sflag:$0x1] =	stream.indirect.gather @!p0 [hbm4b:s1+s31], $0x80, s30, s31, $0xb8;
	[tilespmem:$0x1F200] =	vst v63  }
0x61: {  	_ =	swait.ge [sflag:s22], $0x4000  }
0x62: {  	[sflag:s22] =	ssyncset.done $0x0  }
0x63: {  	[sflag:s22] =	ssyncadd.s32 $0xFFFFC000  }
0x64: {  	[spmem:s3] =	stream.indirect.scatter.add.f32 [tilespmem:s24], [sflag:$0x5], $0x80, s23, s17, $0xb8;
	[tilespmem:$0x1F200] =	vst v63  }
0x65: {  	_ =	swait.ge [sflag:s16], $0x4000  }
0x66: {  	[sflag:s16] =	ssyncset.done $0x0  }
0x67: {  	[sflag:s16] =	ssyncadd.s32 $0xFFFFC000  }
0x68: {  	v2 =	vld [tilespmem:$0x180];
	_ =	sdelay $0x7  }
0x69: {  	[tilespmem:v2+s21+$0x0] =	vst.idx.add.f32.msk $0xffff, v1  }
0x6a: {  	v2 =	vld [tilespmem:$0x190];
	_ =	sdelay $0x7  }
0x6b: {  	[tilespmem:v2+s21+$0x0] =	vst.idx.add.f32.msk $0xffff, v1  }
0x6c: {  	v2 =	vld [tilespmem:$0x1A0];
	_ =	sdelay $0x7  }
0x6d: {  	[tilespmem:v2+s21+$0x0] =	vst.idx.add.f32.msk $0xffff, v1  }
0x6e: {  	v2 =	vld [tilespmem:$0x1B0];
	_ =	sdelay $0x7  }
0x6f: {  	[tilespmem:v2+s21+$0x0] =	vst.idx.add.f32.msk $0xffff, v1  }
0x70: {  	v2 =	vld [tilespmem:$0x1C0];
	_ =	sdelay $0x7  }
0x71: {  	[tilespmem:v2+s21+$0x0] =	vst.idx.add.f32.msk $0xffff, v1  }
0x72: {  	v2 =	vld [tilespmem:$0x1D0];
	_ =	sdelay $0x7  }
0x73: {  	[tilespmem:v2+s21+$0x0] =	vst.idx.add.f32.msk $0xffff, v1  }
0x74: {  	v2 =	vld [tilespmem:$0x1E0];
	_ =	sdelay $0x7  }
0x75: {  	[tilespmem:v2+s21+$0x0] =	vst.idx.add.f32.msk $0xffff, v1  }
0x76: {  	v2 =	vld [tilespmem:$0x1F0];
	_ =	sdelay $0x5  }
0x77: {  	s31 =	sadd.s32 $0x3, s29  }
0x78: {  	s28 =	sadd.s32 $0xFFFFFFFF, s28;
	p0 =	sge.u32 s31, s5  }
0x79: {  	s2 =	sadd.s32 @!p0 $0x20, s26;
	s29 =	simm.s32 @!p0 $0x0;
	s30 =	simm.s32 @!p0 $0x100;
	[tilespmem:v2+s21+$0x0] =	vst.idx.add.f32.msk $0xffff, v1  }
0x7a: {  	[tilespmem:s30], [sflag:$0x4] =	stream.linear.gather @!p0 [hbm4b:s2+s29], $0x100, $0x38;
	[tilespmem:$0x1F200] =	vst v63  }
0x7b: {  	p0 =	sne.s32 s28, $0x0  }
.Ltmp3:
0x7c: {  	_ = 	snop;
	(pc) =	sbr.rel @p0 .LBB2_8-.Ltmp3, $2  }
0x7d: {  	_ =	sdelay $0x2  }
0x7e: {  	s26 =	sadd.s32 $0x40, s26;
	s29 =	smov.u32 s0  }
0x7f: {  	[hbm4b:s11+s17] =	stream.strided.scatter [tilespmem:s21], [sflag:$0x5], $0x2800, s25, s17, $0x38;
	[tilespmem:$0x1F200] =	vst v63  }
0x80: {  	s0 =	stileid.u32;
	_ =	swait.ge [sflag:s16], $0x2800  }
0x81: {  	s2 =	sshrl.u32 s6, $0x3;
	s4 =	sadd.s32 $0x1, s4;
	[sflag:s16] =	ssyncset.done $0x0  }
0x82: {  	s0 =	sshll.u32 s0, $0x6;
	p0 =	sne.s32 s4, s13;
	[sflag:s16] =	ssyncadd.s32 $0xFFFFD800  }
.Ltmp4:
0x83: {  	s0 =	sor.u32 $0x1C05, s0;
	[bflag:$0x0] =	sbarrier.arrive $0xFFFF;
	(pc) =	sbr.rel @p0 .LBB2_1-.Ltmp4, $4  }
0x84: {  	[hbm:s12], [sflag:s0] =	dma.local [spmem:s2], $0x2800  }
0x85: {  	_ =	swait.ge [sflag:s16], $0x2800  }
0x86: {  	[sflag:s16] =	ssyncset.done $0x0  }
0x87: {  	[sflag:s16] =	ssyncadd.s32 $0xFFFFD800  }
0x88: {  	_ =	sfence.sel $0x180000  }
0x89: {  	[bflag:$0x0] =	sbarrier.arrive $0xFFFF  }
0x8a: {  	_ =	strace $0x90000047  }
0x8b: {  	s0 =	stileid.u32;
	[bflag:$0x2] =	sbarrier.arrive $0xFFFF  }
0x8c: {  	p0 =	sne.s32 s0, $0x0;
	s0 =	rddreg [dreg:$0x4]  }
0x8d: {  	s0 =	sadd.s32 @!p0 $0x100000, s0  }
0x8e: {  	[sflag:s0] =	ssyncadd.tile.s32 @!p0 $0x1;
	_ =	shalt  }
.Lfunc_end2:
_tile_overlayer_lowered:
.L_overlay_start_2:
0x8f: {  	(tag) =	ssettag $0x2  }
0x90: {  	s0 =	rddreg [dreg:$0x0];
	s2 =	stileid.u32  }
0x91: {  	s1 =	rddreg [dreg:$0x1];
	p0 =	sne.s32 s2, $0x0  }
0x92: {  	s3 =	rddreg [dreg:$0x2];
	[bflag:$0x3] =	sbarrier.arrive $0xFFFF;
	s2 =	simm.s32 @!p0 $0x1C05  }
0x93: {  	[timem:s3], [sflag:s2] =	dma.local @!p0 [hbm:s0], s1  }
0x94: {  	s0 =	simm.s32 @!p0 $0x5  }
0x95: {  	_ =	swait.ge @!p0 [sflag:s0], s1  }
0x96: {  	s1 =	ssub.s32 @!p0 $0x0, s1;
	[sflag:s0] =	ssyncset.done @!p0 $0x0  }
0x97: {  	[sflag:s0] =	ssyncadd.s32 @!p0 s1  }
0x98: {  	[bflag:$0x3] =	sbarrier.arrive $0xFFFF  }
0x99: {  	_ =	shalt  }

// kernel: kernel.9.cloned.1.call-start
scs
__scs_entry_jumppad:
0x0: {  	(pc) =	sbr.rel $0x88, $3  }
0x1: {  	(tag) =	ssettag $0x0;
	lr =	simm.s32 $0x1  }
0x2: {  	[smem:$0x3F99] =	sst lr;
	_ =	strace $0xD0000000  }
0x3: {  	_ = 	snop  }
0x4: {  	_ = 	snop  }
0x5: {  	_ = 	snop  }
0x6: {  	_ = 	snop  }
0x7: {  	_ = 	snop  }
__scs_overlays_trampoline_lowered:
0x8: {  	[smem:$0x3FA8] =	sst s0  }
0x9: {  	[smem:$0x3FA9] =	sst s1  }
0xa: {  	[smem:$0x3FAA] =	sst s2  }
0xb: {  	[smem:$0x3FAB] =	sst s3  }
0xc: {  	[smem:$0x3FAC] =	sst s4  }
0xd: {  	[smem:$0x3FAD] =	sst s5  }
0xe: {  	[smem:$0x3FAE] =	sst s6  }
0xf: {  	[smem:$0x3FAF] =	sst s7  }
0x10: {  	[smem:$0x3FB0] =	sst s8  }
0x11: {  	[smem:$0x3FB1] =	sst s9;
	s0 =	simm.s32 @!p0 $0x0  }
0x12: {  	s1 =	sld [smem:$0x3F97];
	s0 =	simm.s32 @p0 $0x1  }
0x13: {  	[smem:$0x3FB2] =	sst s0;
	s0 =	simm.s32 @!p1 $0x0  }
0x14: {  	s2 =	sld [smem:$0x3F96];
	s0 =	simm.s32 @p1 $0x1  }
0x15: {  	[smem:$0x3FB3] =	sst s0;
	s0 =	simm.s32 @!p2 $0x0  }
0x16: {  	s3 =	sld [smem:$0x3FDB];
	s0 =	simm.s32 @p2 $0x1  }
0x17: {  	s4 =	simm.s32 $0x1BF5;
	[smem:$0x3FB5] =	sst s0  }
0x18: {  	s0 =	sld [smem:$0x3F98];
	_ =	swait.ge [sflag:s4], $0x0  }
0x19: {  	s7 =	sld [smem:$0x3F99]  }
0x1a: {  	s8 =	sadd.s32 $0xFFFFE003, lr  }
0x1b: {  	s9 =	sadd.s32 $0xFFFFFEF7, lr;
	s5 =	simm.s32 $0xFFFFFFFF;
	p2 =	slt.u32 s8, $0xFFFFF086  }
0x1c: {  	p1 =	slt.u32 s9, $0xF7A;
	s5 =	simm.s32 @!p2 $0x0  }
0x1d: {  	s5 =	simm.s32 @p1 $0x1;
	p0 =	seq.s32 s7, s2  }
0x1e: {  	s7 =	smul.u32 @!p0 $0xF7A, s2;
	p2 =	seq.s32 @!p0 s5, $0x0  }
0x1f: {  	s9 =	smul.u32 $0xF7A, s1;
	s8 =	simm.s32 @!p0 $0x1BF5;
	p2 =	por !p2, p0  }
0x20: {  	[sflag:s8] =	ssyncset.s32 @!p0 $0xFFFFF086;
	s6 =	sadd.s32 @!p0 s3, s7;
	s7 =	simm.s32 @!p0 $0x108  }
0x21: {  	s3 =	sadd.s32 s3, s9;
	s6 =	sadd.s32 @!p0 $0x88, s6;
	s7 =	simm.s32 @p2 $0x1082  }
0x22: {  	[simem:s7], [sflag:s8] =	dma.local @!p0 [hbm:s6], $0xF7A  }
0x23: {  	s9 =	sor.u32 $0xD0000000, s2;
	s6 =	simm.s32 $0x108;
	_ =	swait.ge @!p0 [sflag:s8], $0x0  }
0x24: {  	s3 =	sadd.s32 $0x88, s3;
	s6 =	simm.s32 @!p1 $0x1082;
	[sflag:s4] =	ssyncset.s32 $0xFFFFF086  }
0x25: {  	[simem:s6], [sflag:s4] =	dma.local [hbm:s3], $0xF7A  }
0x26: {  	[smem:$0x3F99] =	sst s1;
	(tag) =	ssettag s2;
	_ =	strace s9  }
0x27: {  	s1 =	sld [smem:$0x3FA9]  }
0x28: {  	s2 =	sld [smem:$0x3FAA]  }
0x29: {  	s4 =	sld [smem:$0x3FAC]  }
0x2a: {  	p0 =	seq.s32 s5, $0x0;
	s5 =	sld [smem:$0x3FAD]  }
0x2b: {  	s6 =	sld [smem:$0x3FAE]  }
0x2c: {  	s7 =	sld [smem:$0x3FAF]  }
0x2d: {  	s3 =	simm.s32 $0x108;
	s8 =	sld [smem:$0x3FB0]  }
0x2e: {  	s3 =	simm.s32 @!p0 $0x1082;
	s9 =	sld [smem:$0x3FB1]  }
0x2f: {  	lr =	sadd.s32 s0, s3;
	s0 =	sld [smem:$0x3FA8]  }
0x30: {  	s3 =	sld [smem:$0x3FAB]  }
0x31: {  	[smem:$0x3FB4] =	sst s10  }
0x32: {  	s10 =	sld [smem:$0x3FB2];
	_ =	sdelay $0x3  }
0x33: {  	p0 =	seq.s32 s10, $0x1;
	s10 =	sld [smem:$0x3FB4];
	_ =	sdelay $0x3  }
0x34: {  	[smem:$0x3FB4] =	sst s10  }
0x35: {  	s10 =	sld [smem:$0x3FB3];
	_ =	sdelay $0x3  }
0x36: {  	p1 =	seq.s32 s10, $0x1;
	s10 =	sld [smem:$0x3FB4];
	_ =	sdelay $0x3  }
0x37: {  	[smem:$0x3FB4] =	sst s10  }
0x38: {  	s10 =	sld [smem:$0x3FB5]  }
0x39: {  	_ = 	snop;
	(pc) =	sbr.ind lr, $3  }
0x3a: {  	_ = 	snop  }
0x3b: {  	_ = 	snop  }
0x3c: {  	p2 =	seq.s32 s10, $0x1;
	s10 =	sld [smem:$0x3FB4]  }
0x3d: {  	_ =	shalt  }
0x3e: {  	_ =	shalt  }
0x3f: {  	_ =	shalt  }
0x40: {  	_ =	shalt  }
0x41: {  	_ =	shalt  }
0x42: {  	_ =	shalt  }
0x43: {  	_ =	shalt  }
0x44: {  	_ =	shalt  }
0x45: {  	_ =	shalt  }
0x46: {  	_ =	shalt  }
0x47: {  	_ =	shalt  }
0x48: {  	_ =	shalt  }
0x49: {  	_ =	shalt  }
0x4a: {  	_ =	shalt  }
0x4b: {  	_ =	shalt  }
0x4c: {  	_ =	shalt  }
0x4d: {  	_ =	shalt  }
0x4e: {  	_ =	shalt  }
0x4f: {  	_ =	shalt  }
0x50: {  	_ =	shalt  }
0x51: {  	_ =	shalt  }
0x52: {  	_ =	shalt  }
0x53: {  	_ =	shalt  }
0x54: {  	_ =	shalt  }
0x55: {  	_ =	shalt  }
0x56: {  	_ =	shalt  }
0x57: {  	_ =	shalt  }
0x58: {  	_ =	shalt  }
0x59: {  	_ =	shalt  }
0x5a: {  	_ =	shalt  }
0x5b: {  	_ =	shalt  }
0x5c: {  	_ =	shalt  }
0x5d: {  	_ =	shalt  }
0x5e: {  	_ =	shalt  }
0x5f: {  	_ =	shalt  }
0x60: {  	_ =	shalt  }
0x61: {  	_ =	shalt  }
0x62: {  	_ =	shalt  }
0x63: {  	_ =	shalt  }
0x64: {  	_ =	shalt  }
0x65: {  	_ =	shalt  }
0x66: {  	_ =	shalt  }
0x67: {  	_ =	shalt  }
0x68: {  	_ =	shalt  }
0x69: {  	_ =	shalt  }
0x6a: {  	_ =	shalt  }
0x6b: {  	_ =	shalt  }
0x6c: {  	_ =	shalt  }
0x6d: {  	_ =	shalt  }
0x6e: {  	_ =	shalt  }
0x6f: {  	_ =	shalt  }
0x70: {  	_ =	shalt  }
0x71: {  	_ =	shalt  }
0x72: {  	_ =	shalt  }
0x73: {  	_ =	shalt  }
0x74: {  	_ =	shalt  }
0x75: {  	_ =	shalt  }
0x76: {  	_ =	shalt  }
0x77: {  	_ =	shalt  }
0x78: {  	_ =	shalt  }
0x79: {  	_ =	shalt  }
0x7a: {  	_ =	shalt  }
0x7b: {  	_ =	shalt  }
0x7c: {  	_ =	shalt  }
0x7d: {  	_ =	shalt  }
0x7e: {  	_ =	shalt  }
0x7f: {  	_ =	shalt  }
0x80: {  	_ =	shalt  }
0x81: {  	_ =	shalt  }
0x82: {  	_ =	shalt  }
0x83: {  	_ =	shalt  }
0x84: {  	_ =	shalt  }
0x85: {  	_ =	shalt  }
0x86: {  	_ =	shalt  }
0x87: {  	_ =	shalt  }
.Lfunc_end0:
.L_simem_size_0:
called_computation.1_lowered:
.L_overlay_start_0:
0x88: {  	s2 =	sld [smem:$0x3FD9]  }
0x89: {  	s3 =	sld [smem:$0x3FFE];
	_ =	sdelay $0x1  }
0x8a: {  	s1 =	srdreg.scid  }
0x8b: {  	s0 =	sand.u32 $0x1, s1  }
0x8c: {  	s17 =	sshll.u32 s0, $0xA;
	s2 =	sadd.s32 s3, s2  }
0x8d: {  	s2 =	sadd.s32 s2, s17  }
0x8e: {  	[smem:$0x3FC0] =	sst s2  }
0x8f: {  	_ = 	snop  }
0x90: {  	s2 =	sld [smem:$0x3FD0];
	(tm) =	ssettm $0x1  }
0x91: {  	s18 =	sld [smem:$0x3FFB];
	_ =	sdelay $0x3  }
0x92: {  	_ =	strace s18  }
0x93: {  	s3 =	sld [smem:$0x3FFC];
	_ =	sdelay $0x3  }
0x94: {  	_ =	strace s3  }
0x95: {  	s3 =	sld [smem:$0x3FFD];
	_ =	sdelay $0x3  }
0x96: {  	_ =	strace s3  }
0x97: {  	_ =	strace $0x8FFFFFFF  }
0x98: {  	s19 =	sld [smem:$0x3FDB];
	_ =	sdelay $0x1  }
0x99: {  	s4 =	simm.s32 $_scs_section_size  }
0x9a: {  	s5 =	simm.s32 $_size__tile_overlayer_lowered;
	s6 =	simm.s32 $_tile_overlayer_lowered  }
0x9b: {  	s22 =	simm.s32 $0x1BFF;
	s21 =	sshll.u32 s6, $0x1;
	s3 =	sadd.s32 s4, s19  }
0x9c: {  	s7 =	simm.s32 $0x0;
	s20 =	sshll.u32 s5, $0x1;
	s5 =	sadd.s32 s21, s3  }
0x9d: {  	[timem:s7], [sflag:s22] =	dma.local [hbm:s5], s20  }
0x9e: {  	_ =	swait.ge [sflag:s22], s20  }
0x9f: {  	s4 =	ssub.s32 $0x0, s20;
	[sflag:s22] =	ssyncset.done $0x0  }
0xa0: {  	[sflag:s22] =	ssyncadd.s32 s4;
	_ =	sdelay $0x1  }
0xa1: {  	s23 =	simm.s32 $0x1B8B  }
0xa2: {  	_ =	swait.ge [sflag:s23], $0x1  }
0xa3: {  	[sflag:s23] =	ssyncset.done $0x0  }
0xa4: {  	s25 =	simm.s32 $0x1B8E;
	s24 =	sld [smem:$0x3FFE];
	[sflag:s23] =	ssyncadd.s32 $0xFFFFFFFF  }
0xa5: {  	s26 =	simm.s32 $execute0_lowered;
	[smem:$0x3FD2] =	sst s25  }
0xa6: {  	s5 =	sshll.u32 s26, $0x1;
	_ =	strace $0x80000049;
	[dreg:$0x1] =	wrdreg $0xFFFFFFFF  }
0xa7: {  	s28 =	simm.s32 $_size_execute0_lowered;
	s3 =	sadd.s32 s3, s5;
	[dreg:$0x0] =	wrdreg $0x0  }
0xa8: {  	s5 =	sshll.u32 s28, $0x1;
	[dreg:$0x2] =	wrdreg s3  }
0xa9: {  	[dreg:$0x3] =	wrdreg s5  }
0xaa: {  	[dreg:$0x4] =	wrdreg $0xC0  }
0xab: {  	_ =	task [dreg:s7], $0x5FFFF  }
0xac: {  	[dreg:$0x1] =	wrdreg $0xFFFFFFFF  }
0xad: {  	[dreg:$0x0] =	wrdreg $0x60  }
0xae: {  	[dreg:$0x2] =	wrdreg s2  }
0xaf: {  	[dreg:$0x3] =	wrdreg s24  }
0xb0: {  	[dreg:$0x4] =	wrdreg $0x8A000  }
0xb1: {  	[dreg:$0x5] =	wrdreg $0x9  }
0xb2: {  	_ =	task.clear_ibuf [dreg:s7], $0x6FFFF;
	_ =	strace $0x90000049  }
0xb3: {  	s29 =	simm.s32 $0x9;
	_ =	strace $0x8000004B  }
0xb4: {  	_ =	swait.ge [sflag:s29], $0x1  }
0xb5: {  	[sflag:s29] =	ssyncadd.s32 $0xFFFFFFFF  }
0xb6: {  	_ =	strace $0x9000004B  }
0xb7: {  	_ =	sfence  }
0xb8: {  	s30 =	sld [smem:$0x0];
	_ =	sdelay $0x2  }
0xb9: {  	s31 =	sshll.u32 s1, $0xD;
	s1 =	sshrl.u32 s1, $0x2  }
0xba: {  	s3 =	sand.u32 $0x4000, s31;
	s1 =	sadd.s32 s1, s30  }
0xbb: {  	s0 =	sor.u32 s3, s0;
	s1 =	sshll.u32 s1, $0x11  }
0xbc: {  	s0 =	sor.u32 s1, s0  }
0xbd: {  	s0 =	sadd.s32 $0x8F2B, s0  }
0xbe: {  	[sflag:s0] =	ssyncadd.remote.s32 $0x1  }
0xbf: {  	_ =	sfence.sel $0xFFFF  }
0xc0: {  	[dreg:$0x0] =	wrdreg $0xFFFFFFFF;
	(pc) =	sbr.abs _section_cstart, $3  }
0xc1: {  	[dreg:$0x1] =	wrdreg $0xFFFFFFFF  }
0xc2: {  	_ =	task.clear_ibuf [dreg:s7], $0x2FFFF;
	_ =	strace $0x9FFFFFFF  }
0xc3: {  	(tm) =	ssettm $0x7FFFFFFF  }
tec
execute0_lowered:
.L_overlay_start_1:
0x0: {  	(tag) =	ssettag $0x1  }
0x1: {  	s1 =	rddreg [dreg:$0x0];
	s0 =	stileid.u32  }
0x2: {  	s2 =	srdreg.scid;
	s6 =	rddreg [dreg:$0x1]  }
0x3: {  	s3 =	rddreg [dreg:$0x2];
	s4 =	simm.s32 $0x0;
	s14 =	simm.s32 $0x8200  }
0x4: {  	s15 =	simm.s32 $0x5;
	s16 =	simm.s32 $0x80;
	s5 =	smul.u32 $0x7C, s0  }
0x5: {  	s17 =	simm.s32 $0x200;
	s19 =	simm.s32 $0x1;
	s8 =	smul.u32 $0x24, s0  }
0x6: {  	s20 =	simm.s32 $0x2;
	s21 =	simm.s32 $0x180;
	s10 =	smul.u32 $0x14000, s0  }
0x7: {  	s22 =	simm.s32 $0x4200;
	s7 =	sand.u32 $0x1, s2;
	s28 =	smul.u32 $0x50000, s0  }
0x8: {  	s23 =	simm.s32 $0x0;
	[smem:$0x7FF] =	sst s4;
	s9 =	smul.u32 $0x140000, s7  }
0x9: {  	p0 =	seq.s32 s7, $0x0;
	_ =	strace $0x8000004A;
	s30 =	ssub.s32 $0x2, s7  }
0xa: {  	s8 =	sadd.s32 $0x7C0, s8;
	s7 =	sshrl.u32 s30, $0x1;
	s31 =	sshrl.u32 s28, $0x2  }
0xb: {  	s8 =	smov.u32 @p0 s5;
	s26 =	sadd.s32 s10, s9;
	s11 =	ssub.s32 s30, s7  }
0xc: {  	s8 =	sshll.u32 s8, $0x5;
	s5 =	sshrl.u32 s26, $0x3;
	s11 =	smax.u32 s11, $0x1  }
0xd: {  	s13 =	sadd.s32 s8, s6;
	s29 =	sadd.s32 s5, s6;
	s5 =	simm.s32 $0x7C  }
0xe: {  	s6 =	sadd.s32 s31, s3;
	s5 =	simm.s32 @!p0 $0x24;
	s7 =	sadd.s32 $0x2600, s13  }
0xf: {  	s8 =	sadd.s32 $0x2620, s13;
	s10 =	sadd.s32 $0x16600, s29;
	s12 =	sshrl.u32 s5, $0x1  }
0x10: {  	v0 =	vimm.f32 $0.0e+00;
	s13 =	sadd.s32 $0x2660, s13;
	s9 =	sadd.s32 $0xFFFFFFFF, s5;
	s12 =	sadd.s32 $0xFFFFFFFF, s12  }
.LBB2_1:
0x11: {  	s24 =	simm.s32 $0x0;
	s25 =	simm.s32 $0x200  }
.LBB2_2:
0x12: {  	p0 =	sne.s32 s25, $0x1E00;
	[tilespmem:s24+$0x8270] =	vst v0  }
0x13: {  	[tilespmem:s24+$0x8200] =	vst v0  }
0x14: {  	[tilespmem:s24+$0x8210] =	vst v0  }
.Ltmp0:
0x15: {  	[tilespmem:s24+$0x8220] =	vst v0;
	(pc) =	sbr.rel @p0 .LBB2_2-.Ltmp0, $4  }
0x16: {  	[tilespmem:s24+$0x8230] =	vst v0  }
0x17: {  	[tilespmem:s24+$0x8240] =	vst v0  }
0x18: {  	[tilespmem:s24+$0x8250] =	vst v0  }
0x19: {  	[tilespmem:s24+$0x8260] =	vst v0;
	s24 =	sshra.s32 s25, $0x2;
	s25 =	sadd.s32 $0x200, s25  }
0x1a: {  	[tilespmem:s24+$0x8270] =	vst v0  }
0x1b: {  	[tilespmem:s24+$0x8200] =	vst v0  }
0x1c: {  	[tilespmem:s24+$0x8210] =	vst v0  }
0x1d: {  	[tilespmem:s24+$0x8220] =	vst v0  }
0x1e: {  	[tilespmem:s24+$0x8230] =	vst v0  }
0x1f: {  	[tilespmem:s24+$0x8240] =	vst v0  }
0x20: {  	[tilespmem:s24+$0x8250] =	vst v0  }
0x21: {  	[tilespmem:s24+$0x8260] =	vst v0;
	s31 =	sadd.s32 $0x0, s6  }
0x22: {  	[spmem:s31] =	stream.linear.scatter [tilespmem:s14], [sflag:$0x5], $0x800, $0x38;
	[tilespmem:$0x1CA00] =	vst v63  }
0x23: {  	s24 =	simm.s32 $0x2000;
	_ =	swait.ge [sflag:s15], $0x800  }
.LBB2_4:
0x24: {  	s25 =	sshra.s32 s24, $0x2;
	[sflag:s15] =	ssyncset.done $0x0;
	p0 =	sne.s32 s24, $0x4E000  }
.Ltmp1:
0x25: {  	s25 =	sadd.s32 s25, s6;
	[sflag:s15] =	ssyncadd.s32 $0xFFFFF800;
	(pc) =	sbr.rel @p0 .LBB2_4-.Ltmp1, $3  }
0x26: {  	[spmem:s25] =	stream.linear.scatter [tilespmem:s14], [sflag:$0x5], $0x800, $0x38;
	[tilespmem:$0x1CA00] =	vst v63  }
0x27: {  	s24 =	sadd.s32 $0x2000, s24;
	_ =	sdelay $0x1  }
0x28: {  	_ =	swait.ge [sflag:s15], $0x800  }
0x29: {  	[sflag:s15] =	ssyncset.done $0x0  }
0x2a: {  	[sflag:s15] =	ssyncadd.s32 $0xFFFFF800  }
0x2b: {  	s24 =	sadd.s32 $0xFFFFFFFF, s12;
	[bflag:$0x0] =	sbarrier.arrive $0xFFFF  }
0x2c: {  	[tilespmem:s4], [sflag:$0x5] =	stream.linear.gather [hbm4b:s7+s4], $0x100, $0x38;
	[tilespmem:$0x1CA00] =	vst v63  }
0x2d: {  	p2 =	sne.s32 s24, $0x0;
	_ =	swait.ge [sflag:s15], $0x100  }
.Ltmp2:
0x2e: {  	[sflag:s15] =	ssyncset.done $0x0;
	(pc) =	sbr.rel @!p2 .LBB2_6-.Ltmp2, $4  }
0x2f: {  	s2 =	simm.s32 $0x100;
	[sflag:s15] =	ssyncadd.s32 $0xFFFFFF00  }
0x30: {  	[tilespmem:s17], [sflag:$0x1] =	stream.indirect.gather [hbm4b:s1+s16], $0x80, s4, s16, $0xb8;
	[tilespmem:$0x1CA00] =	vst v63  }
0x31: {  	s25 =	simm.s32 $0x3;
	p1 =	sle.u32 s9, $0x0;
	p0 =	por $0x0, $0x0  }
0x32: {  	[tilespmem:s2], [sflag:$0x4] =	stream.linear.gather [hbm4b:s8+s4], $0x100, $0x38;
	[tilespmem:$0x1CA00] =	vst v63  }
0x33: {  	s25 =	simm.s32 @!p1 $0x4  }
0x34: {  	_ =	swait.ge @!p1 [sflag:s25], $0x100  }
0x35: {  	s26 =	simm.s32 @!p1 $0x4200;
	[sflag:s25] =	ssyncset.done @!p1 $0x0  }
0x36: {  	s28 =	simm.s32 @!p1 $0x80;
	s29 =	simm.s32 @!p1 $0x100;
	[sflag:s25] =	ssyncadd.s32 @!p1 $0xFFFFFF00  }
0x37: {  	[tilespmem:s26], [sflag:$0x2] =	stream.indirect.gather @!p1 [hbm4b:s1+s28], $0x80, s29, s28, $0xb8;
	[tilespmem:$0x1CA00] =	vst v63  }
0x38: {  	_ =	swait.ge [sflag:s19], $0x4000  }
0x39: {  	[sflag:s19] =	ssyncset.done $0x0  }
0x3a: {  	[sflag:s19] =	ssyncadd.s32 $0xFFFFC000  }
0x3b: {  	[spmem:s3] =	stream.indirect.scatter.add.f32 [tilespmem:s17], [sflag:$0x5], $0x80, s16, s16, $0xb8;
	[tilespmem:$0x1CA00] =	vst v63  }
0x3c: {  	p0 =	sle.u32 s5, $0x2;
	_ =	swait.ge [sflag:s15], $0x4000  }
0x3d: {  	s25 =	sadd.s32 @!p0 $0xFFFFFFE0, s13;
	[sflag:s15] =	ssyncset.done $0x0  }
0x3e: {  	s26 =	simm.s32 @!p0 $0x0;
	s28 =	simm.s32 @!p0 $0x3;
	[sflag:s15] =	ssyncadd.s32 $0xFFFFC000  }
0x3f: {  	[tilespmem:s26], [sflag:$0x3] =	stream.linear.gather @!p0 [hbm4b:s25+s26], $0x100, $0x38;
	[tilespmem:$0x1CA00] =	vst v63  }
0x40: {  	_ =	swait.ge @!p0 [sflag:s28], $0x100  }
0x41: {  	[sflag:s28] =	ssyncset.done @!p0 $0x0  }
0x42: {  	s29 =	simm.s32 @!p0 $0x200;
	s25 =	simm.s32 @!p0 $0x80;
	[sflag:s28] =	ssyncadd.s32 @!p0 $0xFFFFFF00  }
0x43: {  	[tilespmem:s29], [sflag:$0x1] =	stream.indirect.gather @!p0 [hbm4b:s1+s25], $0x80, s26, s25, $0xb8;
	[tilespmem:$0x1CA00] =	vst v63  }
0x44: {  	s26 =	sadd.s32 $0xFFFFFFFF, s24  }
0x45: {  	p2 =	sne.s32 s26, $0x0  }
.Ltmp3:
0x46: {  	_ =	swait.ge [sflag:s20], $0x4000;
	(pc) =	sbr.rel @!p2 .LBB2_8-.Ltmp3, $4  }
0x47: {  	p3 =	sle.u32 s5, $0x3;
	p1 =	sle.u32 s9, $0x2;
	[sflag:s20] =	ssyncset.done $0x0  }
0x48: {  	s28 =	smov.u32 s13;
	s25 =	simm.s32 $0x5;
	[sflag:s20] =	ssyncadd.s32 $0xFFFFC000  }
0x49: {  	[spmem:s3] =	stream.indirect.scatter.add.f32 [tilespmem:s22], [sflag:$0x5], $0x80, s21, s16, $0xb8;
	[tilespmem:$0x1CA00] =	vst v63  }
0x4a: {  	s24 =	sadd.s32 $0x40, s13;
	p0 =	por $0x1, $0x1;
	_ =	swait.ge [sflag:s15], $0x4000  }
.LBB2_9:
0x4b: {  	s29 =	simm.s32 @!p1 $0x4;
	[sflag:s15] =	ssyncset.done $0x0;
	s30 =	simm.s32 @!p3 $0x100  }
0x4c: {  	s26 =	sadd.s32 $0xFFFFFFFF, s26;
	s31 =	simm.s32 @!p3 $0x0;
	[sflag:s15] =	ssyncadd.s32 $0xFFFFC000  }
0x4d: {  	[tilespmem:s30], [sflag:$0x4] =	stream.linear.gather @!p3 [hbm4b:s28+s31], $0x100, $0x38;
	[tilespmem:$0x1CA00] =	vst v63  }
0x4e: {  	p2 =	sne.s32 s26, $0x0;
	s30 =	simm.s32 @!p1 $0x4200;
	_ =	swait.ge @!p1 [sflag:s29], $0x100  }
0x4f: {  	s2 =	simm.s32 @!p1 $0x100;
	s31 =	simm.s32 @!p1 $0x80;
	[sflag:s29] =	ssyncset.done @!p1 $0x0  }
0x50: {  	s28 =	smov.u32 s24;
	[sflag:s29] =	ssyncadd.s32 @!p1 $0xFFFFFF00;
	s29 =	smov.u32 s25  }
0x51: {  	[tilespmem:s30], [sflag:$0x2] =	stream.indirect.gather @!p1 [hbm4b:s1+s31], $0x80, s2, s31, $0xb8;
	[tilespmem:$0x1CA00] =	vst v63  }
0x52: {  	_ =	swait.ge [sflag:s19], $0x4000  }
0x53: {  	[sflag:s19] =	ssyncset.done $0x0  }
0x54: {  	s2 =	sadd.s32 $0xFFFFFFFF, s25;
	[sflag:s19] =	ssyncadd.s32 $0xFFFFC000  }
0x55: {  	[spmem:s3] =	stream.indirect.scatter.add.f32 [tilespmem:s17], [sflag:$0x5], $0x80, s16, s16, $0xb8;
	[tilespmem:$0x1CA00] =	vst v63  }
0x56: {  	p1 =	sge.u32 s2, s5;
	_ =	swait.ge [sflag:s15], $0x4000  }
0x57: {  	s2 =	sadd.s32 @!p1 $0xFFFFFFE0, s24;
	s30 =	simm.s32 @!p1 $0x0;
	[sflag:s15] =	ssyncset.done $0x0  }
0x58: {  	s31 =	simm.s32 @!p1 $0x3;
	[sflag:s15] =	ssyncadd.s32 $0xFFFFC000  }
0x59: {  	[tilespmem:s30], [sflag:$0x3] =	stream.linear.gather @!p1 [hbm4b:s2+s30], $0x100, $0x38;
	[tilespmem:$0x1CA00] =	vst v63  }
0x5a: {  	_ =	swait.ge @!p1 [sflag:s31], $0x100  }
0x5b: {  	s18 =	simm.s32 @!p1 $0x200;
	s2 =	simm.s32 @!p1 $0x80;
	[sflag:s31] =	ssyncset.done @!p1 $0x0  }
0x5c: {  	[sflag:s31] =	ssyncadd.s32 @!p1 $0xFFFFFF00  }
0x5d: {  	[tilespmem:s18], [sflag:$0x1] =	stream.indirect.gather @!p1 [hbm4b:s1+s2], $0x80, s30, s2, $0xb8;
	[tilespmem:$0x1CA00] =	vst v63  }
.Ltmp4:
0x5e: {  	_ =	swait.ge [sflag:s20], $0x4000;
	(pc) =	sbr.rel @p2 .LBB2_9-.Ltmp4, $4  }
0x5f: {  	s25 =	sadd.s32 $0x2, s25;
	[sflag:s20] =	ssyncset.done $0x0  }
0x60: {  	s24 =	sadd.s32 $0x40, s24;
	s2 =	sadd.s32 $0xFFFFFFFD, s25;
	[sflag:s20] =	ssyncadd.s32 $0xFFFFC000  }
0x61: {  	[spmem:s3] =	stream.indirect.scatter.add.f32 [tilespmem:s22], [sflag:$0x5], $0x80, s21, s16, $0xb8;
	[tilespmem:$0x1CA00] =	vst v63  }
0x62: {  	p3 =	sge.u32 s29, s5;
	p1 =	sge.u32 s2, s9;
	_ =	swait.ge [sflag:s15], $0x4000  }
.LBB2_10:
0x63: {  	s2 =	simm.s32 @!p1 $0x4;
	[sflag:s15] =	ssyncset.done @p0 $0x0;
	p2 =	por p3, !p0  }
0x64: {  	s18 =	simm.s32 @!p2 $0x100;
	[sflag:s15] =	ssyncadd.s32 @p0 $0xFFFFC000;
	s26 =	simm.s32 @!p2 $0x0  }
0x65: {  	[tilespmem:s18], [sflag:$0x4] =	stream.linear.gather @!p2 [hbm4b:s28+s26], $0x100, $0x38;
	[tilespmem:$0x1CA00] =	vst v63  }
0x66: {  	_ =	swait.ge @!p1 [sflag:s2], $0x100  }
0x67: {  	s18 =	simm.s32 @!p1 $0x4200;
	[sflag:s2] =	ssyncset.done @!p1 $0x0  }
0x68: {  	s26 =	simm.s32 @!p1 $0x80;
	s28 =	simm.s32 @!p1 $0x100;
	[sflag:s2] =	ssyncadd.s32 @!p1 $0xFFFFFF00  }
0x69: {  	[tilespmem:s18], [sflag:$0x2] =	stream.indirect.gather @!p1 [hbm4b:s1+s26], $0x80, s28, s26, $0xb8;
	[tilespmem:$0x1CA00] =	vst v63  }
0x6a: {  	_ =	swait.ge [sflag:s19], $0x4000  }
0x6b: {  	[sflag:s19] =	ssyncset.done $0x0  }
0x6c: {  	s30 =	sadd.s32 $0xFFFFFFFF, s25;
	[sflag:s19] =	ssyncadd.s32 $0xFFFFC000  }
0x6d: {  	[spmem:s3] =	stream.indirect.scatter.add.f32 [tilespmem:s17], [sflag:$0x5], $0x80, s16, s16, $0xb8;
	[tilespmem:$0x1CA00] =	vst v63  }
0x6e: {  	p0 =	sge.u32 s30, s5;
	_ =	swait.ge [sflag:s15], $0x4000  }
0x6f: {  	s2 =	sadd.s32 @!p0 $0xFFFFFFE0, s24;
	[sflag:s15] =	ssyncset.done $0x0  }
0x70: {  	s18 =	simm.s32 @!p0 $0x0;
	s26 =	simm.s32 @!p0 $0x3;
	[sflag:s15] =	ssyncadd.s32 $0xFFFFC000  }
0x71: {  	[tilespmem:s18], [sflag:$0x3] =	stream.linear.gather @!p0 [hbm4b:s2+s18], $0x100, $0x38;
	[tilespmem:$0x1CA00] =	vst v63  }
0x72: {  	_ =	swait.ge @!p0 [sflag:s26], $0x100  }
0x73: {  	[sflag:s26] =	ssyncset.done @!p0 $0x0  }
0x74: {  	s28 =	simm.s32 @!p0 $0x200;
	s2 =	simm.s32 @!p0 $0x80;
	[sflag:s26] =	ssyncadd.s32 @!p0 $0xFFFFFF00  }
0x75: {  	[tilespmem:s28], [sflag:$0x1] =	stream.indirect.gather @!p0 [hbm4b:s1+s2], $0x80, s18, s2, $0xb8;
	[tilespmem:$0x1CA00] =	vst v63  }
0x76: {  	_ =	swait.ge [sflag:s20], $0x4000  }
0x77: {  	[sflag:s20] =	ssyncset.done $0x0  }
0x78: {  	[sflag:s20] =	ssyncadd.s32 $0xFFFFC000  }
0x79: {  	[spmem:s3] =	stream.indirect.scatter.add.f32 [tilespmem:s22], [sflag:$0x5], $0x80, s21, s16, $0xb8;
	[tilespmem:$0x1CA00] =	vst v63  }
0x7a: {  	s31 =	sadd.s32 $0x2, s25;
	_ =	swait.ge [sflag:s15], $0x4000  }
0x7b: {  	p0 =	sge.u32 s25, s5;
	s28 =	sadd.s32 $0xFFFFFFFD, s31;
	[sflag:s15] =	ssyncset.done $0x0  }
0x7c: {  	s18 =	simm.s32 @!p0 $0x100;
	s25 =	simm.s32 @!p0 $0x0;
	[sflag:s15] =	ssyncadd.s32 $0xFFFFC000  }
0x7d: {  	[tilespmem:s18], [sflag:$0x4] =	stream.linear.gather @!p0 [hbm4b:s24+s25], $0x100, $0x38;
	[tilespmem:$0x1CA00] =	vst v63  }
0x7e: {  	p0 =	sge.u32 s28, s9  }
0x7f: {  	s18 =	simm.s32 @!p0 $0x4  }
0x80: {  	_ =	swait.ge @!p0 [sflag:s18], $0x100  }
0x81: {  	s25 =	simm.s32 @!p0 $0x100;
	[sflag:s18] =	ssyncset.done @!p0 $0x0  }
0x82: {  	s26 =	simm.s32 @!p0 $0x4200;
	[sflag:s18] =	ssyncadd.s32 @!p0 $0xFFFFFF00;
	s18 =	simm.s32 @!p0 $0x80  }
0x83: {  	[tilespmem:s26], [sflag:$0x2] =	stream.indirect.gather @!p0 [hbm4b:s1+s18], $0x80, s25, s18, $0xb8;
	[tilespmem:$0x1CA00] =	vst v63  }
0x84: {  	_ =	swait.ge [sflag:s19], $0x4000  }
0x85: {  	[sflag:s19] =	ssyncset.done $0x0  }
0x86: {  	[sflag:s19] =	ssyncadd.s32 $0xFFFFC000  }
0x87: {  	[spmem:s3] =	stream.indirect.scatter.add.f32 [tilespmem:s17], [sflag:$0x5], $0x80, s16, s16, $0xb8;
	[tilespmem:$0x1CA00] =	vst v63  }
0x88: {  	s29 =	sadd.s32 $0xFFFFFFFF, s31;
	_ =	swait.ge [sflag:s15], $0x4000  }
0x89: {  	s24 =	sadd.s32 $0x40, s24;
	p0 =	sge.u32 s29, s5;
	[sflag:s15] =	ssyncset.done $0x0  }
0x8a: {  	s18 =	sadd.s32 @!p0 $0xFFFFFFE0, s24;
	s25 =	simm.s32 @!p0 $0x0;
	[sflag:s15] =	ssyncadd.s32 $0xFFFFC000  }
0x8b: {  	[tilespmem:s25], [sflag:$0x3] =	stream.linear.gather @!p0 [hbm4b:s18+s25], $0x100, $0x38;
	[tilespmem:$0x1CA00] =	vst v63  }
0x8c: {  	s18 =	simm.s32 @!p0 $0x3  }
0x8d: {  	_ =	swait.ge @!p0 [sflag:s18], $0x100  }
0x8e: {  	[sflag:s18] =	ssyncset.done @!p0 $0x0  }
0x8f: {  	s26 =	simm.s32 @!p0 $0x200;
	[sflag:s18] =	ssyncadd.s32 @!p0 $0xFFFFFF00;
	s18 =	simm.s32 @!p0 $0x80  }
0x90: {  	[tilespmem:s26], [sflag:$0x1] =	stream.indirect.gather @!p0 [hbm4b:s1+s18], $0x80, s25, s18, $0xb8;
	[tilespmem:$0x1CA00] =	vst v63  }
0x91: {  	_ =	swait.ge [sflag:s20], $0x4000  }
0x92: {  	[sflag:s20] =	ssyncset.done $0x0  }
0x93: {  	[sflag:s20] =	ssyncadd.s32 $0xFFFFC000  }
0x94: {  	[spmem:s3] =	stream.indirect.scatter.add.f32 [tilespmem:s22], [sflag:$0x5], $0x80, s21, s16, $0xb8;
	[tilespmem:$0x1CA00] =	vst v63  }
0x95: {  	s23 =	sadd.s32 $0x1, s23;
	s30 =	sshll.u32 s0, $0x6;
	_ =	swait.ge [sflag:s15], $0x4000  }
0x96: {  	p0 =	sge.u32 s31, s5;
	s31 =	sshrl.u32 s6, $0x3;
	[sflag:s15] =	ssyncset.done $0x0  }
0x97: {  	s2 =	simm.s32 @!p0 $0x0;
	s18 =	simm.s32 @!p0 $0x100;
	[sflag:s15] =	ssyncadd.s32 $0xFFFFC000  }
0x98: {  	[tilespmem:s18], [sflag:$0x4] =	stream.linear.gather @!p0 [hbm4b:s24+s2], $0x100, $0x38;
	[tilespmem:$0x1CA00] =	vst v63  }
0x99: {  	s2 =	sor.u32 $0x1C05, s30;
	p0 =	sne.s32 s23, s11;
	[bflag:$0x0] =	sbarrier.arrive $0xFFFF  }
0x9a: {  	[hbm:s10], [sflag:s2] =	dma.local [spmem:s31], $0x2800  }
.Ltmp5:
0x9b: {  	_ = 	snop;
	(pc) =	sbr.rel @p0 .LBB2_1-.Ltmp5, $4  }
.Ltmp6:
0x9c: {  	_ = 	snop;
	(pc) =	sbr.rel @!p0 .LBB2_11-.Ltmp6, $4  }
0x9d: {  	_ =	swait.ge [sflag:s15], $0x2800  }
0x9e: {  	[sflag:s15] =	ssyncset.done $0x0  }
0x9f: {  	[sflag:s15] =	ssyncadd.s32 $0xFFFFD800  }
0xa0: {  	_ = 	snop  }
.LBB2_6:
.Ltmp7:
0xa1: {  	(pc) =	sbr.rel .LBB2_10-.Ltmp7, $2  }
0xa2: {  	_ =	sdelay $0x2  }
0xa3: {  	s24 =	smov.u32 s13  }
.LBB2_8:
.Ltmp8:
0xa4: {  	(pc) =	sbr.rel .LBB2_10-.Ltmp8, $2  }
0xa5: {  	_ =	sdelay $0x2  }
0xa6: {  	s28 =	smov.u32 s13  }
.LBB2_11:
0xa7: {  	_ =	sfence.sel $0x180000  }
0xa8: {  	[bflag:$0x0] =	sbarrier.arrive $0xFFFF  }
0xa9: {  	_ =	strace $0x9000004A  }
0xaa: {  	[bflag:$0x2] =	sbarrier.arrive $0xFFFF  }
0xab: {  	p0 =	sne.s32 s0, $0x0;
	s0 =	rddreg [dreg:$0x3]  }
0xac: {  	s0 =	sadd.s32 @!p0 $0x100000, s0  }
0xad: {  	[sflag:s0] =	ssyncadd.tile.s32 @!p0 $0x1;
	_ =	shalt  }
.Lfunc_end2:
_tile_overlayer_lowered:
.L_overlay_start_2:
0xae: {  	(tag) =	ssettag $0x2  }
0xaf: {  	s0 =	rddreg [dreg:$0x0];
	s2 =	stileid.u32  }
0xb0: {  	s1 =	rddreg [dreg:$0x1];
	p0 =	sne.s32 s2, $0x0  }
0xb1: {  	s3 =	rddreg [dreg:$0x2];
	[bflag:$0x3] =	sbarrier.arrive $0xFFFF;
	s2 =	simm.s32 @!p0 $0x1C05  }
0xb2: {  	[timem:s3], [sflag:s2] =	dma.local @!p0 [hbm:s0], s1  }
0xb3: {  	s0 =	simm.s32 @!p0 $0x5  }
0xb4: {  	_ =	swait.ge @!p0 [sflag:s0], s1  }
0xb5: {  	s1 =	ssub.s32 @!p0 $0x0, s1;
	[sflag:s0] =	ssyncset.done @!p0 $0x0  }
0xb6: {  	[sflag:s0] =	ssyncadd.s32 @!p0 s1  }
0xb7: {  	[bflag:$0x3] =	sbarrier.arrive $0xFFFF  }
0xb8: {  	_ =	shalt  }

</sc_bundles>
